<compile_context>
chip_gen: v7x
topology: tpu7x:2x2x1
jax: 0.10.2.dev20260603
libtpu: 0.0.44.dev20260713+nightly
codegen_flags: <defaults>
</compile_context>

<pallas_src>
import functools

import jax
import jax.numpy as jnp
from jax import lax
from jax.experimental import pallas as pl
from jax.experimental.pallas import tpu as pltpu
from jax.experimental.pallas import tpu_sc as plsc

D_MODEL = 64
SEQ = 200
NX = 4096
NROWS = NX * SEQ
IDXW = 128
N_IROWS = NROWS // IDXW
NW = 32
IRPW = N_IROWS // NW
RPW = NROWS // NW
G_PER_STEP = 2
CH = G_PER_STEP * IDXW
N_STEP = IRPW // G_PER_STEP
N_TABLE = 8192
TROWS = N_TABLE // 16


def _make_gather():
  mesh = plsc.VectorSubcoreMesh(
      core_axis_name="c", subcore_axis_name="s", num_cores=2, num_subcores=16
  )

  @functools.partial(
      pl.kernel,
      mesh=mesh,
      compiler_params=pltpu.CompilerParams(use_tc_tiling_on_sc=False),
      out_type=jax.ShapeDtypeStruct((NROWS, D_MODEL), jnp.float32),
      scratch_types=[
          pltpu.VMEM_SHARED((N_TABLE, D_MODEL), jnp.float32),
          pltpu.VMEM((IRPW, IDXW), jnp.int32),
          pltpu.VMEM((CH, D_MODEL), jnp.float32),
          pltpu.VMEM((CH, D_MODEL), jnp.float32),
          pltpu.VMEM((CH, D_MODEL), jnp.float32),
          pltpu.SemaphoreType.DMA,
          pltpu.SemaphoreType.DMA,
          pltpu.SemaphoreType.DMA,
          pltpu.SemaphoreType.DMA,
          pltpu.SemaphoreType.DMA,
          pltpu.SemaphoreType.DMA,
      ],
  )
  def gather_kernel(
      x_hbm, pe_hbm, out_hbm, pe_sh, idx_v, buf_a, buf_b, buf_c,
      gsem_a, gsem_b, gsem_c, osem_a, osem_b, osem_c
  ):
    sid = lax.axis_index("s")
    wid = sid * 2 + lax.axis_index("c")
    orow0 = wid * RPW

    pltpu.sync_copy(
        pe_hbm.at[pl.ds(sid * TROWS, TROWS)],
        pe_sh.at[pl.ds(sid * TROWS, TROWS)],
    )
    pltpu.sync_copy(x_hbm.at[pl.ds(wid * IRPW, IRPW)], idx_v)
    plsc.subcore_barrier()

    def issue_gathers(s, buf, gsem):
      for k in range(G_PER_STEP):
        pltpu.async_copy(
            pe_sh.at[idx_v.at[s * G_PER_STEP + k]],
            buf.at[pl.ds(k * IDXW, IDXW)],
            gsem,
        )

    def wait_gathers(s, buf, gsem):
      for k in range(G_PER_STEP):
        pltpu.make_async_copy(
            pe_sh.at[idx_v.at[s * G_PER_STEP + k]],
            buf.at[pl.ds(k * IDXW, IDXW)],
            gsem,
        ).wait()

    def issue_out(s, buf, osem):
      pltpu.async_copy(buf, out_hbm.at[pl.ds(orow0 + s * CH, CH)], osem)

    def wait_out(s, buf, osem):
      pltpu.make_async_copy(
          buf, out_hbm.at[pl.ds(orow0 + s * CH, CH)], osem
      ).wait()

    bufs = (buf_a, buf_b, buf_c)
    gsems = (gsem_a, gsem_b, gsem_c)
    osems = (osem_a, osem_b, osem_c)

    issue_gathers(0, buf_a, gsem_a)
    issue_gathers(1, buf_b, gsem_b)

    def step(s, carry):
      def body(p):
        pn = (p + 2) % 3
        wait_gathers(s, bufs[p], gsems[p])
        issue_out(s, bufs[p], osems[p])

        @pl.when(s < N_STEP - 2)
        def _():
          @pl.when(s > 0)
          def _():
            wait_out(s - 1, bufs[pn], osems[pn])

          issue_gathers(s + 2, bufs[pn], gsems[pn])

      phase = s % 3
      for p in range(3):
        @pl.when(phase == p)
        def _(p=p):
          body(p)

      return carry

    lax.fori_loop(0, N_STEP, step, 0)

    for t in (N_STEP - 3, N_STEP - 2, N_STEP - 1):
      wait_out(t, bufs[t % 3], osems[t % 3])

  return gather_kernel


def kernel(x, pe):
  xf = x.astype(jnp.int32).reshape(N_IROWS, IDXW)
  out = _make_gather()(xf, pe)
  return out.reshape(NX, SEQ, D_MODEL)

# --- scband reference (transcript-rebuilt; emitter-appended) ---
"""Pipeline reference for scband-positional-encoding-44384192037160 (READ-ONLY COPY).

The authoritative reference and input builder live on the scoring server;
editing this copy changes nothing except your own understanding.
"""

import jax, jax.numpy as jnp
import numpy as np
from math import log

D_MODEL = 64
MAX_LEN = 8192


def _build_pe(max_len, d_model):
    pe = np.zeros((max_len, d_model), dtype=np.float32)
    position = np.arange(0, max_len, dtype=np.float32)[:, None]
    div_term = np.exp(np.arange(0, d_model, 2, dtype=np.float32) * (log(10000.0) / d_model))
    pe[:, 0::2] = np.sin(position * div_term)
    pe[:, 1::2] = np.cos(position * div_term)
    return jnp.asarray(pe)


def setup_inputs(seed: int = 0) -> dict:
    key = jax.random.key(seed)
    k_x, = jax.random.split(key, 1)
    x = jax.random.randint(k_x, (4096, 200), 0, MAX_LEN, dtype=jnp.int64 if jax.config.jax_enable_x64 else jnp.int32)
    pe = _build_pe(MAX_LEN, D_MODEL)
    return {"x": x, "pe": pe}


def reference(x, pe):
    # Faithful translation of PositionalEncoding.forward: self.pe[x]
    return jnp.take(pe, x, axis=0)

if __name__ == "__main__":
    import jax
    _d = setup_inputs()
    print(jax.jit(kernel)(*tuple(_d.values())))

</pallas_src>

<mosaic_0001>
#map = affine_map<(d0, d1) -> (0, 0)>
module attributes {stable_mosaic.version = 14 : i64} {
  func.func @gather_kernel(%arg0: i32, %arg1: i32, %arg2: memref<6400x128xi32, #tpu.memory_space<hbm>>, %arg3: memref<8192x64xf32, #tpu.memory_space<hbm>>, %arg4: memref<819200x64xf32, #tpu.memory_space<hbm>>, %arg5: memref<8192x64xf32, #tpu.memory_space<vmem_shared>>, %arg6: memref<200x128xi32, #tpu.memory_space<vmem>>, %arg7: memref<256x64xf32, #tpu.memory_space<vmem>>, %arg8: memref<256x64xf32, #tpu.memory_space<vmem>>, %arg9: memref<256x64xf32, #tpu.memory_space<vmem>>, %arg10: memref<!tpu.dma_semaphore, #tpu.memory_space<semaphore_mem>>, %arg11: memref<!tpu.dma_semaphore, #tpu.memory_space<semaphore_mem>>, %arg12: memref<!tpu.dma_semaphore, #tpu.memory_space<semaphore_mem>>, %arg13: memref<!tpu.dma_semaphore, #tpu.memory_space<semaphore_mem>>, %arg14: memref<!tpu.dma_semaphore, #tpu.memory_space<semaphore_mem>>, %arg15: memref<!tpu.dma_semaphore, #tpu.memory_space<semaphore_mem>>) attributes {dimension_semantics = [#tpu.dimension_semantics<core_parallel>, #tpu.dimension_semantics<subcore_parallel>], iteration_bounds = array<i64: 2, 16>, scalar_prefetch = 0 : i64, scratch_operands = 11 : i64, tpu.core_type = #tpu.core_type<sc_vector_subcore>, window_params = [{transform_indices = #map}, {transform_indices = #map}, {transform_indices = #map}]} {
    %mul3A = arith.constant 2 : i32
    %mul3A_0 = arith.muli %arg1, %mul3A : i32
    %add3A = arith.addi %mul3A_0, %arg0 : i32
    %mul3A_1 = arith.constant 25600 : i32
    %mul3A_2 = arith.muli %add3A, %mul3A_1 : i32
    %mul3A_3 = arith.constant 512 : i32
    %mul3A_4 = arith.muli %arg1, %mul3A_3 : i32
    %mul3A_5 = arith.constant 512 : i32
    %mul3A_6 = arith.muli %arg1, %mul3A_5 : i32
    "tpu.region"() ({
      %run_scoped3A = tpu.sem_alloc : memref<!tpu.dma_semaphore, #tpu.memory_space<semaphore_mem>>
      %dma_start3A_70 = arith.constant 0 : i32
      %dma_start3A_71 = tpu.memref_slice %arg5[%mul3A_6, %dma_start3A_70] : memref<8192x64xf32, #tpu.memory_space<vmem_shared>> -> memref<512x64xf32, #tpu.memory_space<vmem_shared>>
      %dma_start3A_72 = arith.constant 0 : i32
      %dma_start3A_73 = tpu.memref_slice %arg3[%mul3A_4, %dma_start3A_72] : memref<8192x64xf32, #tpu.memory_space<hbm>> -> memref<512x64xf32, #tpu.memory_space<hbm>>
      tpu.enqueue_dma source(%dma_start3A_73 : memref<512x64xf32, #tpu.memory_space<hbm>>) target(%dma_start3A_71 : memref<512x64xf32, #tpu.memory_space<vmem_shared>>) target_semaphore(%run_scoped3A : memref<!tpu.dma_semaphore, #tpu.memory_space<semaphore_mem>>)
      %dma_wait3A_74 = arith.constant 0 : i32
      %dma_wait3A_75 = tpu.memref_slice %arg5[%mul3A_6, %dma_wait3A_74] : memref<8192x64xf32, #tpu.memory_space<vmem_shared>> -> memref<512x64xf32, #tpu.memory_space<vmem_shared>>
      %dma_wait3A_76 = arith.constant 0 : i32
      %dma_wait3A_77 = tpu.memref_slice %arg3[%mul3A_4, %dma_wait3A_76] : memref<8192x64xf32, #tpu.memory_space<hbm>> -> memref<512x64xf32, #tpu.memory_space<hbm>>
      tpu.wait_dma2 semaphore(%run_scoped3A : memref<!tpu.dma_semaphore, #tpu.memory_space<semaphore_mem>>) src(%dma_wait3A_77 : memref<512x64xf32, #tpu.memory_space<hbm>>) dst(%dma_wait3A_75 : memref<512x64xf32, #tpu.memory_space<vmem_shared>>)
      tpu.yield
    }) : () -> ()
    %mul3A_7 = arith.constant 200 : i32
    %mul3A_8 = arith.muli %add3A, %mul3A_7 : i32
    "tpu.region"() ({
      %run_scoped3A = tpu.sem_alloc : memref<!tpu.dma_semaphore, #tpu.memory_space<semaphore_mem>>
      %dma_start3A_70 = arith.constant 0 : i32
      %dma_start3A_71 = tpu.memref_slice %arg2[%mul3A_8, %dma_start3A_70] : memref<6400x128xi32, #tpu.memory_space<hbm>> -> memref<200x128xi32, #tpu.memory_space<hbm>>
      %dma_start3A_72 = arith.constant 0 : i32
      %dma_start3A_73 = tpu.memref_slice %arg2[%mul3A_8, %dma_start3A_72] : memref<6400x128xi32, #tpu.memory_space<hbm>> -> memref<200x128xi32, #tpu.memory_space<hbm>>
      tpu.enqueue_dma source(%dma_start3A_73 : memref<200x128xi32, #tpu.memory_space<hbm>>) target(%arg6 : memref<200x128xi32, #tpu.memory_space<vmem>>) target_semaphore(%run_scoped3A : memref<!tpu.dma_semaphore, #tpu.memory_space<semaphore_mem>>)
      %dma_wait3A_74 = arith.constant 0 : i32
      %dma_wait3A_75 = tpu.memref_slice %arg2[%mul3A_8, %dma_wait3A_74] : memref<6400x128xi32, #tpu.memory_space<hbm>> -> memref<200x128xi32, #tpu.memory_space<hbm>>
      %dma_wait3A_76 = arith.constant 0 : i32
      %dma_wait3A_77 = tpu.memref_slice %arg2[%mul3A_8, %dma_wait3A_76] : memref<6400x128xi32, #tpu.memory_space<hbm>> -> memref<200x128xi32, #tpu.memory_space<hbm>>
      tpu.wait_dma2 semaphore(%run_scoped3A : memref<!tpu.dma_semaphore, #tpu.memory_space<semaphore_mem>>) src(%dma_wait3A_77 : memref<200x128xi32, #tpu.memory_space<hbm>>) dst(%arg6 : memref<200x128xi32, #tpu.memory_space<vmem>>)
      tpu.yield
    }) : () -> ()
    %barrier3A = arith.constant 0 : index
    tpu.barrier barrier_id(%barrier3A)
    %dma_start3A = arith.constant 0 : i32
    %dma_start3A_9 = arith.constant 0 : i32
    %dma_start3A_10 = arith.constant 0 : i32
    %dma_start3A_11 = tpu.memref_slice %arg7[%dma_start3A_9, %dma_start3A_10] : memref<256x64xf32, #tpu.memory_space<vmem>> -> memref<128x64xf32, #tpu.memory_space<vmem>>
    %dma_start3A_12 = arith.constant 0 : i32
    %dma_start3A_13 = tpu.memref_slice %arg6[%dma_start3A, %dma_start3A_12] : memref<200x128xi32, #tpu.memory_space<vmem>> -> memref<1x128xi32, #tpu.memory_space<vmem>>
    %dma_start3A_14 = tpu.memref_squeeze %dma_start3A_13 : memref<1x128xi32, #tpu.memory_space<vmem>> -> memref<128xi32, #tpu.memory_space<vmem>>
    %dma_start3A_15 = arith.constant 0 : i32
    %dma_start3A_16 = arith.constant 0 : i32
    %dma_start3A_17 = tpu.memref_slice %arg5[%dma_start3A_15, %dma_start3A_16] : memref<8192x64xf32, #tpu.memory_space<vmem_shared>> -> memref<8192x64xf32, #tpu.memory_space<vmem_shared>>
    tpu.enqueue_indirect_dma source(%dma_start3A_17 : memref<8192x64xf32, #tpu.memory_space<vmem_shared>>) target(%dma_start3A_11 : memref<128x64xf32, #tpu.memory_space<vmem>>) offsets(%dma_start3A_14 : memref<128xi32, #tpu.memory_space<vmem>>) semaphore(%arg10 : memref<!tpu.dma_semaphore, #tpu.memory_space<semaphore_mem>>)
    %dma_start3A_18 = arith.constant 1 : i32
    %dma_start3A_19 = arith.constant 128 : i32
    %dma_start3A_20 = arith.constant 0 : i32
    %dma_start3A_21 = tpu.memref_slice %arg7[%dma_start3A_19, %dma_start3A_20] : memref<256x64xf32, #tpu.memory_space<vmem>> -> memref<128x64xf32, #tpu.memory_space<vmem>>
    %dma_start3A_22 = arith.constant 0 : i32
    %dma_start3A_23 = tpu.memref_slice %arg6[%dma_start3A_18, %dma_start3A_22] : memref<200x128xi32, #tpu.memory_space<vmem>> -> memref<1x128xi32, #tpu.memory_space<vmem>>
    %dma_start3A_24 = tpu.memref_squeeze %dma_start3A_23 : memref<1x128xi32, #tpu.memory_space<vmem>> -> memref<128xi32, #tpu.memory_space<vmem>>
    %dma_start3A_25 = arith.constant 0 : i32
    %dma_start3A_26 = arith.constant 0 : i32
    %dma_start3A_27 = tpu.memref_slice %arg5[%dma_start3A_25, %dma_start3A_26] : memref<8192x64xf32, #tpu.memory_space<vmem_shared>> -> memref<8192x64xf32, #tpu.memory_space<vmem_shared>>
    tpu.enqueue_indirect_dma source(%dma_start3A_27 : memref<8192x64xf32, #tpu.memory_space<vmem_shared>>) target(%dma_start3A_21 : memref<128x64xf32, #tpu.memory_space<vmem>>) offsets(%dma_start3A_24 : memref<128xi32, #tpu.memory_space<vmem>>) semaphore(%arg10 : memref<!tpu.dma_semaphore, #tpu.memory_space<semaphore_mem>>)
    %dma_start3A_28 = arith.constant 2 : i32
    %dma_start3A_29 = arith.constant 0 : i32
    %dma_start3A_30 = arith.constant 0 : i32
    %dma_start3A_31 = tpu.memref_slice %arg8[%dma_start3A_29, %dma_start3A_30] : memref<256x64xf32, #tpu.memory_space<vmem>> -> memref<128x64xf32, #tpu.memory_space<vmem>>
    %dma_start3A_32 = arith.constant 0 : i32
    %dma_start3A_33 = tpu.memref_slice %arg6[%dma_start3A_28, %dma_start3A_32] : memref<200x128xi32, #tpu.memory_space<vmem>> -> memref<1x128xi32, #tpu.memory_space<vmem>>
    %dma_start3A_34 = tpu.memref_squeeze %dma_start3A_33 : memref<1x128xi32, #tpu.memory_space<vmem>> -> memref<128xi32, #tpu.memory_space<vmem>>
    %dma_start3A_35 = arith.constant 0 : i32
    %dma_start3A_36 = arith.constant 0 : i32
    %dma_start3A_37 = tpu.memref_slice %arg5[%dma_start3A_35, %dma_start3A_36] : memref<8192x64xf32, #tpu.memory_space<vmem_shared>> -> memref<8192x64xf32, #tpu.memory_space<vmem_shared>>
    tpu.enqueue_indirect_dma source(%dma_start3A_37 : memref<8192x64xf32, #tpu.memory_space<vmem_shared>>) target(%dma_start3A_31 : memref<128x64xf32, #tpu.memory_space<vmem>>) offsets(%dma_start3A_34 : memref<128xi32, #tpu.memory_space<vmem>>) semaphore(%arg11 : memref<!tpu.dma_semaphore, #tpu.memory_space<semaphore_mem>>)
    %dma_start3A_38 = arith.constant 3 : i32
    %dma_start3A_39 = arith.constant 128 : i32
    %dma_start3A_40 = arith.constant 0 : i32
    %dma_start3A_41 = tpu.memref_slice %arg8[%dma_start3A_39, %dma_start3A_40] : memref<256x64xf32, #tpu.memory_space<vmem>> -> memref<128x64xf32, #tpu.memory_space<vmem>>
    %dma_start3A_42 = arith.constant 0 : i32
    %dma_start3A_43 = tpu.memref_slice %arg6[%dma_start3A_38, %dma_start3A_42] : memref<200x128xi32, #tpu.memory_space<vmem>> -> memref<1x128xi32, #tpu.memory_space<vmem>>
    %dma_start3A_44 = tpu.memref_squeeze %dma_start3A_43 : memref<1x128xi32, #tpu.memory_space<vmem>> -> memref<128xi32, #tpu.memory_space<vmem>>
    %dma_start3A_45 = arith.constant 0 : i32
    %dma_start3A_46 = arith.constant 0 : i32
    %dma_start3A_47 = tpu.memref_slice %arg5[%dma_start3A_45, %dma_start3A_46] : memref<8192x64xf32, #tpu.memory_space<vmem_shared>> -> memref<8192x64xf32, #tpu.memory_space<vmem_shared>>
    tpu.enqueue_indirect_dma source(%dma_start3A_47 : memref<8192x64xf32, #tpu.memory_space<vmem_shared>>) target(%dma_start3A_41 : memref<128x64xf32, #tpu.memory_space<vmem>>) offsets(%dma_start3A_44 : memref<128xi32, #tpu.memory_space<vmem>>) semaphore(%arg11 : memref<!tpu.dma_semaphore, #tpu.memory_space<semaphore_mem>>)
    %scan3A = arith.constant 0 : i32
    %scan3A_48 = arith.constant 0 : i32
    %scan3A_49 = arith.constant 100 : i32
    %scan3A_50 = arith.addi %scan3A_48, %scan3A_49 : i32
    %scan3A_51 = arith.constant 1 : i32
    scf.for %scan3A_70 = %scan3A_48 to %scan3A_50 step %scan3A_51  : i32 {
      %jit3A = arith.constant 3 : i32
      %eq3A = arith.constant 0 : i32
      %eq3A_71 = arith.cmpi eq, %jit3A, %eq3A : i32
      %jit3A_72 = arith.constant 1 : i32
      %select_n3A = arith.select %eq3A_71, %jit3A_72, %jit3A : i32
      %rem3A = arith.remsi %scan3A_70, %select_n3A : i32
      %ne3A = arith.constant 0 : i32
      %ne3A_73 = arith.cmpi ne, %rem3A, %ne3A : i32
      %lt3A = arith.constant 0 : i32
      %lt3A_74 = arith.cmpi slt, %rem3A, %lt3A : i32
      %lt3A_75 = arith.constant 0 : i32
      %lt3A_76 = arith.cmpi slt, %select_n3A, %lt3A_75 : i32
      %ne3A_77 = arith.xori %lt3A_74, %lt3A_76 : i1
      %and3A = arith.andi %ne3A_77, %ne3A_73 : i1
      %add3A_78 = arith.addi %rem3A, %select_n3A : i32
      %select_n3A_79 = arith.select %and3A, %add3A_78, %rem3A : i32
      %eq3A_80 = arith.constant 0 : i32
      %eq3A_81 = arith.cmpi eq, %select_n3A_79, %eq3A_80 : i32
      %convert_element_type3A = arith.extui %eq3A_81 : i1 to i32
      %cond3A = arith.constant 0 : i32
      %cond3A_82 = arith.cmpi ne, %convert_element_type3A, %cond3A : i32
      scf.if %cond3A_82 {
        %mul3A_93 = arith.constant 2 : i32
        %mul3A_94 = arith.muli %scan3A_70, %mul3A_93 : i32
        %add3A_95 = arith.constant 0 : i32
        %add3A_96 = arith.addi %mul3A_94, %add3A_95 : i32
        %dma_wait3A_97 = arith.constant 0 : i32
        %dma_wait3A_98 = arith.constant 0 : i32
        %dma_wait3A_99 = tpu.memref_slice %arg7[%dma_wait3A_97, %dma_wait3A_98] : memref<256x64xf32, #tpu.memory_space<vmem>> -> memref<128x64xf32, #tpu.memory_space<vmem>>
        %dma_wait3A_100 = arith.constant 0 : i32
        %dma_wait3A_101 = tpu.memref_slice %arg6[%add3A_96, %dma_wait3A_100] : memref<200x128xi32, #tpu.memory_space<vmem>> -> memref<1x128xi32, #tpu.memory_space<vmem>>
        %dma_wait3A_102 = tpu.memref_squeeze %dma_wait3A_101 : memref<1x128xi32, #tpu.memory_space<vmem>> -> memref<128xi32, #tpu.memory_space<vmem>>
        %dma_wait3A_103 = arith.constant 0 : i32
        %dma_wait3A_104 = arith.constant 0 : i32
        %dma_wait3A_105 = tpu.memref_slice %arg5[%dma_wait3A_103, %dma_wait3A_104] : memref<8192x64xf32, #tpu.memory_space<vmem_shared>> -> memref<8192x64xf32, #tpu.memory_space<vmem_shared>>
        tpu.wait_indirect_dma semaphore(%arg10 : memref<!tpu.dma_semaphore, #tpu.memory_space<semaphore_mem>>) src(%dma_wait3A_105 : memref<8192x64xf32, #tpu.memory_space<vmem_shared>>) dst(%dma_wait3A_99 : memref<128x64xf32, #tpu.memory_space<vmem>>)
        %mul3A_106 = arith.constant 2 : i32
        %mul3A_107 = arith.muli %scan3A_70, %mul3A_106 : i32
        %add3A_108 = arith.constant 1 : i32
        %add3A_109 = arith.addi %mul3A_107, %add3A_108 : i32
        %dma_wait3A_110 = arith.constant 128 : i32
        %dma_wait3A_111 = arith.constant 0 : i32
        %dma_wait3A_112 = tpu.memref_slice %arg7[%dma_wait3A_110, %dma_wait3A_111] : memref<256x64xf32, #tpu.memory_space<vmem>> -> memref<128x64xf32, #tpu.memory_space<vmem>>
        %dma_wait3A_113 = arith.constant 0 : i32
        %dma_wait3A_114 = tpu.memref_slice %arg6[%add3A_109, %dma_wait3A_113] : memref<200x128xi32, #tpu.memory_space<vmem>> -> memref<1x128xi32, #tpu.memory_space<vmem>>
        %dma_wait3A_115 = tpu.memref_squeeze %dma_wait3A_114 : memref<1x128xi32, #tpu.memory_space<vmem>> -> memref<128xi32, #tpu.memory_space<vmem>>
        %dma_wait3A_116 = arith.constant 0 : i32
        %dma_wait3A_117 = arith.constant 0 : i32
        %dma_wait3A_118 = tpu.memref_slice %arg5[%dma_wait3A_116, %dma_wait3A_117] : memref<8192x64xf32, #tpu.memory_space<vmem_shared>> -> memref<8192x64xf32, #tpu.memory_space<vmem_shared>>
        tpu.wait_indirect_dma semaphore(%arg10 : memref<!tpu.dma_semaphore, #tpu.memory_space<semaphore_mem>>) src(%dma_wait3A_118 : memref<8192x64xf32, #tpu.memory_space<vmem_shared>>) dst(%dma_wait3A_112 : memref<128x64xf32, #tpu.memory_space<vmem>>)
        %mul3A_119 = arith.constant 256 : i32
        %mul3A_120 = arith.muli %scan3A_70, %mul3A_119 : i32
        %add3A_121 = arith.addi %mul3A_2, %mul3A_120 : i32
        %dma_start3A_122 = arith.constant 0 : i32
        %dma_start3A_123 = tpu.memref_slice %arg4[%add3A_121, %dma_start3A_122] : memref<819200x64xf32, #tpu.memory_space<hbm>> -> memref<256x64xf32, #tpu.memory_space<hbm>>
        %dma_start3A_124 = arith.constant 0 : i32
        %dma_start3A_125 = tpu.memref_slice %arg4[%add3A_121, %dma_start3A_124] : memref<819200x64xf32, #tpu.memory_space<hbm>> -> memref<256x64xf32, #tpu.memory_space<hbm>>
        tpu.enqueue_dma source(%arg7 : memref<256x64xf32, #tpu.memory_space<vmem>>) target(%dma_start3A_125 : memref<256x64xf32, #tpu.memory_space<hbm>>) target_semaphore(%arg13 : memref<!tpu.dma_semaphore, #tpu.memory_space<semaphore_mem>>)
        %lt3A_126 = arith.constant 98 : i32
        %lt3A_127 = arith.cmpi slt, %scan3A_70, %lt3A_126 : i32
        %convert_element_type3A_128 = arith.extui %lt3A_127 : i1 to i32
        %cond3A_129 = arith.constant 0 : i32
        %cond3A_130 = arith.cmpi ne, %convert_element_type3A_128, %cond3A_129 : i32
        scf.if %cond3A_130 {
          %gt3A = arith.constant 0 : i32
          %gt3A_131 = arith.cmpi sgt, %scan3A_70, %gt3A : i32
          %convert_element_type3A_132 = arith.extui %gt3A_131 : i1 to i32
          %cond3A_133 = arith.constant 0 : i32
          %cond3A_134 = arith.cmpi ne, %convert_element_type3A_132, %cond3A_133 : i32
          scf.if %cond3A_134 {
            %sub3A = arith.constant 1 : i32
            %sub3A_163 = arith.subi %scan3A_70, %sub3A : i32
            %mul3A_164 = arith.constant 256 : i32
            %mul3A_165 = arith.muli %sub3A_163, %mul3A_164 : i32
            %add3A_166 = arith.addi %mul3A_2, %mul3A_165 : i32
            %dma_wait3A_167 = arith.constant 0 : i32
            %dma_wait3A_168 = tpu.memref_slice %arg4[%add3A_166, %dma_wait3A_167] : memref<819200x64xf32, #tpu.memory_space<hbm>> -> memref<256x64xf32, #tpu.memory_space<hbm>>
            %dma_wait3A_169 = arith.constant 0 : i32
            %dma_wait3A_170 = tpu.memref_slice %arg4[%add3A_166, %dma_wait3A_169] : memref<819200x64xf32, #tpu.memory_space<hbm>> -> memref<256x64xf32, #tpu.memory_space<hbm>>
            tpu.wait_dma2 semaphore(%arg15 : memref<!tpu.dma_semaphore, #tpu.memory_space<semaphore_mem>>) src(%arg9 : memref<256x64xf32, #tpu.memory_space<vmem>>) dst(%dma_wait3A_170 : memref<256x64xf32, #tpu.memory_space<hbm>>)
          } else {
          }
          %add3A_135 = arith.constant 2 : i32
          %add3A_136 = arith.addi %scan3A_70, %add3A_135 : i32
          %mul3A_137 = arith.constant 2 : i32
          %mul3A_138 = arith.muli %add3A_136, %mul3A_137 : i32
          %add3A_139 = arith.constant 0 : i32
          %add3A_140 = arith.addi %mul3A_138, %add3A_139 : i32
          %dma_start3A_141 = arith.constant 0 : i32
          %dma_start3A_142 = arith.constant 0 : i32
          %dma_start3A_143 = tpu.memref_slice %arg9[%dma_start3A_141, %dma_start3A_142] : memref<256x64xf32, #tpu.memory_space<vmem>> -> memref<128x64xf32, #tpu.memory_space<vmem>>
          %dma_start3A_144 = arith.constant 0 : i32
          %dma_start3A_145 = tpu.memref_slice %arg6[%add3A_140, %dma_start3A_144] : memref<200x128xi32, #tpu.memory_space<vmem>> -> memref<1x128xi32, #tpu.memory_space<vmem>>
          %dma_start3A_146 = tpu.memref_squeeze %dma_start3A_145 : memref<1x128xi32, #tpu.memory_space<vmem>> -> memref<128xi32, #tpu.memory_space<vmem>>
          %dma_start3A_147 = arith.constant 0 : i32
          %dma_start3A_148 = arith.constant 0 : i32
          %dma_start3A_149 = tpu.memref_slice %arg5[%dma_start3A_147, %dma_start3A_148] : memref<8192x64xf32, #tpu.memory_space<vmem_shared>> -> memref<8192x64xf32, #tpu.memory_space<vmem_shared>>
          tpu.enqueue_indirect_dma source(%dma_start3A_149 : memref<8192x64xf32, #tpu.memory_space<vmem_shared>>) target(%dma_start3A_143 : memref<128x64xf32, #tpu.memory_space<vmem>>) offsets(%dma_start3A_146 : memref<128xi32, #tpu.memory_space<vmem>>) semaphore(%arg12 : memref<!tpu.dma_semaphore, #tpu.memory_space<semaphore_mem>>)
          %mul3A_150 = arith.constant 2 : i32
          %mul3A_151 = arith.muli %add3A_136, %mul3A_150 : i32
          %add3A_152 = arith.constant 1 : i32
          %add3A_153 = arith.addi %mul3A_151, %add3A_152 : i32
          %dma_start3A_154 = arith.constant 128 : i32
          %dma_start3A_155 = arith.constant 0 : i32
          %dma_start3A_156 = tpu.memref_slice %arg9[%dma_start3A_154, %dma_start3A_155] : memref<256x64xf32, #tpu.memory_space<vmem>> -> memref<128x64xf32, #tpu.memory_space<vmem>>
          %dma_start3A_157 = arith.constant 0 : i32
          %dma_start3A_158 = tpu.memref_slice %arg6[%add3A_153, %dma_start3A_157] : memref<200x128xi32, #tpu.memory_space<vmem>> -> memref<1x128xi32, #tpu.memory_space<vmem>>
          %dma_start3A_159 = tpu.memref_squeeze %dma_start3A_158 : memref<1x128xi32, #tpu.memory_space<vmem>> -> memref<128xi32, #tpu.memory_space<vmem>>
          %dma_start3A_160 = arith.constant 0 : i32
          %dma_start3A_161 = arith.constant 0 : i32
          %dma_start3A_162 = tpu.memref_slice %arg5[%dma_start3A_160, %dma_start3A_161] : memref<8192x64xf32, #tpu.memory_space<vmem_shared>> -> memref<8192x64xf32, #tpu.memory_space<vmem_shared>>
          tpu.enqueue_indirect_dma source(%dma_start3A_162 : memref<8192x64xf32, #tpu.memory_space<vmem_shared>>) target(%dma_start3A_156 : memref<128x64xf32, #tpu.memory_space<vmem>>) offsets(%dma_start3A_159 : memref<128xi32, #tpu.memory_space<vmem>>) semaphore(%arg12 : memref<!tpu.dma_semaphore, #tpu.memory_space<semaphore_mem>>)
        } else {
        }
      } else {
      }
      %eq3A_83 = arith.constant 1 : i32
      %eq3A_84 = arith.cmpi eq, %select_n3A_79, %eq3A_83 : i32
      %convert_element_type3A_85 = arith.extui %eq3A_84 : i1 to i32
      %cond3A_86 = arith.constant 0 : i32
      %cond3A_87 = arith.cmpi ne, %convert_element_type3A_85, %cond3A_86 : i32
      scf.if %cond3A_87 {
        %mul3A_93 = arith.constant 2 : i32
        %mul3A_94 = arith.muli %scan3A_70, %mul3A_93 : i32
        %add3A_95 = arith.constant 0 : i32
        %add3A_96 = arith.addi %mul3A_94, %add3A_95 : i32
        %dma_wait3A_97 = arith.constant 0 : i32
        %dma_wait3A_98 = arith.constant 0 : i32
        %dma_wait3A_99 = tpu.memref_slice %arg8[%dma_wait3A_97, %dma_wait3A_98] : memref<256x64xf32, #tpu.memory_space<vmem>> -> memref<128x64xf32, #tpu.memory_space<vmem>>
        %dma_wait3A_100 = arith.constant 0 : i32
        %dma_wait3A_101 = tpu.memref_slice %arg6[%add3A_96, %dma_wait3A_100] : memref<200x128xi32, #tpu.memory_space<vmem>> -> memref<1x128xi32, #tpu.memory_space<vmem>>
        %dma_wait3A_102 = tpu.memref_squeeze %dma_wait3A_101 : memref<1x128xi32, #tpu.memory_space<vmem>> -> memref<128xi32, #tpu.memory_space<vmem>>
        %dma_wait3A_103 = arith.constant 0 : i32
        %dma_wait3A_104 = arith.constant 0 : i32
        %dma_wait3A_105 = tpu.memref_slice %arg5[%dma_wait3A_103, %dma_wait3A_104] : memref<8192x64xf32, #tpu.memory_space<vmem_shared>> -> memref<8192x64xf32, #tpu.memory_space<vmem_shared>>
        tpu.wait_indirect_dma semaphore(%arg11 : memref<!tpu.dma_semaphore, #tpu.memory_space<semaphore_mem>>) src(%dma_wait3A_105 : memref<8192x64xf32, #tpu.memory_space<vmem_shared>>) dst(%dma_wait3A_99 : memref<128x64xf32, #tpu.memory_space<vmem>>)
        %mul3A_106 = arith.constant 2 : i32
        %mul3A_107 = arith.muli %scan3A_70, %mul3A_106 : i32
        %add3A_108 = arith.constant 1 : i32
        %add3A_109 = arith.addi %mul3A_107, %add3A_108 : i32
        %dma_wait3A_110 = arith.constant 128 : i32
        %dma_wait3A_111 = arith.constant 0 : i32
        %dma_wait3A_112 = tpu.memref_slice %arg8[%dma_wait3A_110, %dma_wait3A_111] : memref<256x64xf32, #tpu.memory_space<vmem>> -> memref<128x64xf32, #tpu.memory_space<vmem>>
        %dma_wait3A_113 = arith.constant 0 : i32
        %dma_wait3A_114 = tpu.memref_slice %arg6[%add3A_109, %dma_wait3A_113] : memref<200x128xi32, #tpu.memory_space<vmem>> -> memref<1x128xi32, #tpu.memory_space<vmem>>
        %dma_wait3A_115 = tpu.memref_squeeze %dma_wait3A_114 : memref<1x128xi32, #tpu.memory_space<vmem>> -> memref<128xi32, #tpu.memory_space<vmem>>
        %dma_wait3A_116 = arith.constant 0 : i32
        %dma_wait3A_117 = arith.constant 0 : i32
        %dma_wait3A_118 = tpu.memref_slice %arg5[%dma_wait3A_116, %dma_wait3A_117] : memref<8192x64xf32, #tpu.memory_space<vmem_shared>> -> memref<8192x64xf32, #tpu.memory_space<vmem_shared>>
        tpu.wait_indirect_dma semaphore(%arg11 : memref<!tpu.dma_semaphore, #tpu.memory_space<semaphore_mem>>) src(%dma_wait3A_118 : memref<8192x64xf32, #tpu.memory_space<vmem_shared>>) dst(%dma_wait3A_112 : memref<128x64xf32, #tpu.memory_space<vmem>>)
        %mul3A_119 = arith.constant 256 : i32
        %mul3A_120 = arith.muli %scan3A_70, %mul3A_119 : i32
        %add3A_121 = arith.addi %mul3A_2, %mul3A_120 : i32
        %dma_start3A_122 = arith.constant 0 : i32
        %dma_start3A_123 = tpu.memref_slice %arg4[%add3A_121, %dma_start3A_122] : memref<819200x64xf32, #tpu.memory_space<hbm>> -> memref<256x64xf32, #tpu.memory_space<hbm>>
        %dma_start3A_124 = arith.constant 0 : i32
        %dma_start3A_125 = tpu.memref_slice %arg4[%add3A_121, %dma_start3A_124] : memref<819200x64xf32, #tpu.memory_space<hbm>> -> memref<256x64xf32, #tpu.memory_space<hbm>>
        tpu.enqueue_dma source(%arg8 : memref<256x64xf32, #tpu.memory_space<vmem>>) target(%dma_start3A_125 : memref<256x64xf32, #tpu.memory_space<hbm>>) target_semaphore(%arg14 : memref<!tpu.dma_semaphore, #tpu.memory_space<semaphore_mem>>)
        %lt3A_126 = arith.constant 98 : i32
        %lt3A_127 = arith.cmpi slt, %scan3A_70, %lt3A_126 : i32
        %convert_element_type3A_128 = arith.extui %lt3A_127 : i1 to i32
        %cond3A_129 = arith.constant 0 : i32
        %cond3A_130 = arith.cmpi ne, %convert_element_type3A_128, %cond3A_129 : i32
        scf.if %cond3A_130 {
          %gt3A = arith.constant 0 : i32
          %gt3A_131 = arith.cmpi sgt, %scan3A_70, %gt3A : i32
          %convert_element_type3A_132 = arith.extui %gt3A_131 : i1 to i32
          %cond3A_133 = arith.constant 0 : i32
          %cond3A_134 = arith.cmpi ne, %convert_element_type3A_132, %cond3A_133 : i32
          scf.if %cond3A_134 {
            %sub3A = arith.constant 1 : i32
            %sub3A_163 = arith.subi %scan3A_70, %sub3A : i32
            %mul3A_164 = arith.constant 256 : i32
            %mul3A_165 = arith.muli %sub3A_163, %mul3A_164 : i32
            %add3A_166 = arith.addi %mul3A_2, %mul3A_165 : i32
            %dma_wait3A_167 = arith.constant 0 : i32
            %dma_wait3A_168 = tpu.memref_slice %arg4[%add3A_166, %dma_wait3A_167] : memref<819200x64xf32, #tpu.memory_space<hbm>> -> memref<256x64xf32, #tpu.memory_space<hbm>>
            %dma_wait3A_169 = arith.constant 0 : i32
            %dma_wait3A_170 = tpu.memref_slice %arg4[%add3A_166, %dma_wait3A_169] : memref<819200x64xf32, #tpu.memory_space<hbm>> -> memref<256x64xf32, #tpu.memory_space<hbm>>
            tpu.wait_dma2 semaphore(%arg13 : memref<!tpu.dma_semaphore, #tpu.memory_space<semaphore_mem>>) src(%arg7 : memref<256x64xf32, #tpu.memory_space<vmem>>) dst(%dma_wait3A_170 : memref<256x64xf32, #tpu.memory_space<hbm>>)
          } else {
          }
          %add3A_135 = arith.constant 2 : i32
          %add3A_136 = arith.addi %scan3A_70, %add3A_135 : i32
          %mul3A_137 = arith.constant 2 : i32
          %mul3A_138 = arith.muli %add3A_136, %mul3A_137 : i32
          %add3A_139 = arith.constant 0 : i32
          %add3A_140 = arith.addi %mul3A_138, %add3A_139 : i32
          %dma_start3A_141 = arith.constant 0 : i32
          %dma_start3A_142 = arith.constant 0 : i32
          %dma_start3A_143 = tpu.memref_slice %arg7[%dma_start3A_141, %dma_start3A_142] : memref<256x64xf32, #tpu.memory_space<vmem>> -> memref<128x64xf32, #tpu.memory_space<vmem>>
          %dma_start3A_144 = arith.constant 0 : i32
          %dma_start3A_145 = tpu.memref_slice %arg6[%add3A_140, %dma_start3A_144] : memref<200x128xi32, #tpu.memory_space<vmem>> -> memref<1x128xi32, #tpu.memory_space<vmem>>
          %dma_start3A_146 = tpu.memref_squeeze %dma_start3A_145 : memref<1x128xi32, #tpu.memory_space<vmem>> -> memref<128xi32, #tpu.memory_space<vmem>>
          %dma_start3A_147 = arith.constant 0 : i32
          %dma_start3A_148 = arith.constant 0 : i32
          %dma_start3A_149 = tpu.memref_slice %arg5[%dma_start3A_147, %dma_start3A_148] : memref<8192x64xf32, #tpu.memory_space<vmem_shared>> -> memref<8192x64xf32, #tpu.memory_space<vmem_shared>>
          tpu.enqueue_indirect_dma source(%dma_start3A_149 : memref<8192x64xf32, #tpu.memory_space<vmem_shared>>) target(%dma_start3A_143 : memref<128x64xf32, #tpu.memory_space<vmem>>) offsets(%dma_start3A_146 : memref<128xi32, #tpu.memory_space<vmem>>) semaphore(%arg10 : memref<!tpu.dma_semaphore, #tpu.memory_space<semaphore_mem>>)
          %mul3A_150 = arith.constant 2 : i32
          %mul3A_151 = arith.muli %add3A_136, %mul3A_150 : i32
          %add3A_152 = arith.constant 1 : i32
          %add3A_153 = arith.addi %mul3A_151, %add3A_152 : i32
          %dma_start3A_154 = arith.constant 128 : i32
          %dma_start3A_155 = arith.constant 0 : i32
          %dma_start3A_156 = tpu.memref_slice %arg7[%dma_start3A_154, %dma_start3A_155] : memref<256x64xf32, #tpu.memory_space<vmem>> -> memref<128x64xf32, #tpu.memory_space<vmem>>
          %dma_start3A_157 = arith.constant 0 : i32
          %dma_start3A_158 = tpu.memref_slice %arg6[%add3A_153, %dma_start3A_157] : memref<200x128xi32, #tpu.memory_space<vmem>> -> memref<1x128xi32, #tpu.memory_space<vmem>>
          %dma_start3A_159 = tpu.memref_squeeze %dma_start3A_158 : memref<1x128xi32, #tpu.memory_space<vmem>> -> memref<128xi32, #tpu.memory_space<vmem>>
          %dma_start3A_160 = arith.constant 0 : i32
          %dma_start3A_161 = arith.constant 0 : i32
          %dma_start3A_162 = tpu.memref_slice %arg5[%dma_start3A_160, %dma_start3A_161] : memref<8192x64xf32, #tpu.memory_space<vmem_shared>> -> memref<8192x64xf32, #tpu.memory_space<vmem_shared>>
          tpu.enqueue_indirect_dma source(%dma_start3A_162 : memref<8192x64xf32, #tpu.memory_space<vmem_shared>>) target(%dma_start3A_156 : memref<128x64xf32, #tpu.memory_space<vmem>>) offsets(%dma_start3A_159 : memref<128xi32, #tpu.memory_space<vmem>>) semaphore(%arg10 : memref<!tpu.dma_semaphore, #tpu.memory_space<semaphore_mem>>)
        } else {
        }
      } else {
      }
      %eq3A_88 = arith.constant 2 : i32
      %eq3A_89 = arith.cmpi eq, %select_n3A_79, %eq3A_88 : i32
      %convert_element_type3A_90 = arith.extui %eq3A_89 : i1 to i32
      %cond3A_91 = arith.constant 0 : i32
      %cond3A_92 = arith.cmpi ne, %convert_element_type3A_90, %cond3A_91 : i32
      scf.if %cond3A_92 {
        %mul3A_93 = arith.constant 2 : i32
        %mul3A_94 = arith.muli %scan3A_70, %mul3A_93 : i32
        %add3A_95 = arith.constant 0 : i32
        %add3A_96 = arith.addi %mul3A_94, %add3A_95 : i32
        %dma_wait3A_97 = arith.constant 0 : i32
        %dma_wait3A_98 = arith.constant 0 : i32
        %dma_wait3A_99 = tpu.memref_slice %arg9[%dma_wait3A_97, %dma_wait3A_98] : memref<256x64xf32, #tpu.memory_space<vmem>> -> memref<128x64xf32, #tpu.memory_space<vmem>>
        %dma_wait3A_100 = arith.constant 0 : i32
        %dma_wait3A_101 = tpu.memref_slice %arg6[%add3A_96, %dma_wait3A_100] : memref<200x128xi32, #tpu.memory_space<vmem>> -> memref<1x128xi32, #tpu.memory_space<vmem>>
        %dma_wait3A_102 = tpu.memref_squeeze %dma_wait3A_101 : memref<1x128xi32, #tpu.memory_space<vmem>> -> memref<128xi32, #tpu.memory_space<vmem>>
        %dma_wait3A_103 = arith.constant 0 : i32
        %dma_wait3A_104 = arith.constant 0 : i32
        %dma_wait3A_105 = tpu.memref_slice %arg5[%dma_wait3A_103, %dma_wait3A_104] : memref<8192x64xf32, #tpu.memory_space<vmem_shared>> -> memref<8192x64xf32, #tpu.memory_space<vmem_shared>>
        tpu.wait_indirect_dma semaphore(%arg12 : memref<!tpu.dma_semaphore, #tpu.memory_space<semaphore_mem>>) src(%dma_wait3A_105 : memref<8192x64xf32, #tpu.memory_space<vmem_shared>>) dst(%dma_wait3A_99 : memref<128x64xf32, #tpu.memory_space<vmem>>)
        %mul3A_106 = arith.constant 2 : i32
        %mul3A_107 = arith.muli %scan3A_70, %mul3A_106 : i32
        %add3A_108 = arith.constant 1 : i32
        %add3A_109 = arith.addi %mul3A_107, %add3A_108 : i32
        %dma_wait3A_110 = arith.constant 128 : i32
        %dma_wait3A_111 = arith.constant 0 : i32
        %dma_wait3A_112 = tpu.memref_slice %arg9[%dma_wait3A_110, %dma_wait3A_111] : memref<256x64xf32, #tpu.memory_space<vmem>> -> memref<128x64xf32, #tpu.memory_space<vmem>>
        %dma_wait3A_113 = arith.constant 0 : i32
        %dma_wait3A_114 = tpu.memref_slice %arg6[%add3A_109, %dma_wait3A_113] : memref<200x128xi32, #tpu.memory_space<vmem>> -> memref<1x128xi32, #tpu.memory_space<vmem>>
        %dma_wait3A_115 = tpu.memref_squeeze %dma_wait3A_114 : memref<1x128xi32, #tpu.memory_space<vmem>> -> memref<128xi32, #tpu.memory_space<vmem>>
        %dma_wait3A_116 = arith.constant 0 : i32
        %dma_wait3A_117 = arith.constant 0 : i32
        %dma_wait3A_118 = tpu.memref_slice %arg5[%dma_wait3A_116, %dma_wait3A_117] : memref<8192x64xf32, #tpu.memory_space<vmem_shared>> -> memref<8192x64xf32, #tpu.memory_space<vmem_shared>>
        tpu.wait_indirect_dma semaphore(%arg12 : memref<!tpu.dma_semaphore, #tpu.memory_space<semaphore_mem>>) src(%dma_wait3A_118 : memref<8192x64xf32, #tpu.memory_space<vmem_shared>>) dst(%dma_wait3A_112 : memref<128x64xf32, #tpu.memory_space<vmem>>)
        %mul3A_119 = arith.constant 256 : i32
        %mul3A_120 = arith.muli %scan3A_70, %mul3A_119 : i32
        %add3A_121 = arith.addi %mul3A_2, %mul3A_120 : i32
        %dma_start3A_122 = arith.constant 0 : i32
        %dma_start3A_123 = tpu.memref_slice %arg4[%add3A_121, %dma_start3A_122] : memref<819200x64xf32, #tpu.memory_space<hbm>> -> memref<256x64xf32, #tpu.memory_space<hbm>>
        %dma_start3A_124 = arith.constant 0 : i32
        %dma_start3A_125 = tpu.memref_slice %arg4[%add3A_121, %dma_start3A_124] : memref<819200x64xf32, #tpu.memory_space<hbm>> -> memref<256x64xf32, #tpu.memory_space<hbm>>
        tpu.enqueue_dma source(%arg9 : memref<256x64xf32, #tpu.memory_space<vmem>>) target(%dma_start3A_125 : memref<256x64xf32, #tpu.memory_space<hbm>>) target_semaphore(%arg15 : memref<!tpu.dma_semaphore, #tpu.memory_space<semaphore_mem>>)
        %lt3A_126 = arith.constant 98 : i32
        %lt3A_127 = arith.cmpi slt, %scan3A_70, %lt3A_126 : i32
        %convert_element_type3A_128 = arith.extui %lt3A_127 : i1 to i32
        %cond3A_129 = arith.constant 0 : i32
        %cond3A_130 = arith.cmpi ne, %convert_element_type3A_128, %cond3A_129 : i32
        scf.if %cond3A_130 {
          %gt3A = arith.constant 0 : i32
          %gt3A_131 = arith.cmpi sgt, %scan3A_70, %gt3A : i32
          %convert_element_type3A_132 = arith.extui %gt3A_131 : i1 to i32
          %cond3A_133 = arith.constant 0 : i32
          %cond3A_134 = arith.cmpi ne, %convert_element_type3A_132, %cond3A_133 : i32
          scf.if %cond3A_134 {
            %sub3A = arith.constant 1 : i32
            %sub3A_163 = arith.subi %scan3A_70, %sub3A : i32
            %mul3A_164 = arith.constant 256 : i32
            %mul3A_165 = arith.muli %sub3A_163, %mul3A_164 : i32
            %add3A_166 = arith.addi %mul3A_2, %mul3A_165 : i32
            %dma_wait3A_167 = arith.constant 0 : i32
            %dma_wait3A_168 = tpu.memref_slice %arg4[%add3A_166, %dma_wait3A_167] : memref<819200x64xf32, #tpu.memory_space<hbm>> -> memref<256x64xf32, #tpu.memory_space<hbm>>
            %dma_wait3A_169 = arith.constant 0 : i32
            %dma_wait3A_170 = tpu.memref_slice %arg4[%add3A_166, %dma_wait3A_169] : memref<819200x64xf32, #tpu.memory_space<hbm>> -> memref<256x64xf32, #tpu.memory_space<hbm>>
            tpu.wait_dma2 semaphore(%arg14 : memref<!tpu.dma_semaphore, #tpu.memory_space<semaphore_mem>>) src(%arg8 : memref<256x64xf32, #tpu.memory_space<vmem>>) dst(%dma_wait3A_170 : memref<256x64xf32, #tpu.memory_space<hbm>>)
          } else {
          }
          %add3A_135 = arith.constant 2 : i32
          %add3A_136 = arith.addi %scan3A_70, %add3A_135 : i32
          %mul3A_137 = arith.constant 2 : i32
          %mul3A_138 = arith.muli %add3A_136, %mul3A_137 : i32
          %add3A_139 = arith.constant 0 : i32
          %add3A_140 = arith.addi %mul3A_138, %add3A_139 : i32
          %dma_start3A_141 = arith.constant 0 : i32
          %dma_start3A_142 = arith.constant 0 : i32
          %dma_start3A_143 = tpu.memref_slice %arg8[%dma_start3A_141, %dma_start3A_142] : memref<256x64xf32, #tpu.memory_space<vmem>> -> memref<128x64xf32, #tpu.memory_space<vmem>>
          %dma_start3A_144 = arith.constant 0 : i32
          %dma_start3A_145 = tpu.memref_slice %arg6[%add3A_140, %dma_start3A_144] : memref<200x128xi32, #tpu.memory_space<vmem>> -> memref<1x128xi32, #tpu.memory_space<vmem>>
          %dma_start3A_146 = tpu.memref_squeeze %dma_start3A_145 : memref<1x128xi32, #tpu.memory_space<vmem>> -> memref<128xi32, #tpu.memory_space<vmem>>
          %dma_start3A_147 = arith.constant 0 : i32
          %dma_start3A_148 = arith.constant 0 : i32
          %dma_start3A_149 = tpu.memref_slice %arg5[%dma_start3A_147, %dma_start3A_148] : memref<8192x64xf32, #tpu.memory_space<vmem_shared>> -> memref<8192x64xf32, #tpu.memory_space<vmem_shared>>
          tpu.enqueue_indirect_dma source(%dma_start3A_149 : memref<8192x64xf32, #tpu.memory_space<vmem_shared>>) target(%dma_start3A_143 : memref<128x64xf32, #tpu.memory_space<vmem>>) offsets(%dma_start3A_146 : memref<128xi32, #tpu.memory_space<vmem>>) semaphore(%arg11 : memref<!tpu.dma_semaphore, #tpu.memory_space<semaphore_mem>>)
          %mul3A_150 = arith.constant 2 : i32
          %mul3A_151 = arith.muli %add3A_136, %mul3A_150 : i32
          %add3A_152 = arith.constant 1 : i32
          %add3A_153 = arith.addi %mul3A_151, %add3A_152 : i32
          %dma_start3A_154 = arith.constant 128 : i32
          %dma_start3A_155 = arith.constant 0 : i32
          %dma_start3A_156 = tpu.memref_slice %arg8[%dma_start3A_154, %dma_start3A_155] : memref<256x64xf32, #tpu.memory_space<vmem>> -> memref<128x64xf32, #tpu.memory_space<vmem>>
          %dma_start3A_157 = arith.constant 0 : i32
          %dma_start3A_158 = tpu.memref_slice %arg6[%add3A_153, %dma_start3A_157] : memref<200x128xi32, #tpu.memory_space<vmem>> -> memref<1x128xi32, #tpu.memory_space<vmem>>
          %dma_start3A_159 = tpu.memref_squeeze %dma_start3A_158 : memref<1x128xi32, #tpu.memory_space<vmem>> -> memref<128xi32, #tpu.memory_space<vmem>>
          %dma_start3A_160 = arith.constant 0 : i32
          %dma_start3A_161 = arith.constant 0 : i32
          %dma_start3A_162 = tpu.memref_slice %arg5[%dma_start3A_160, %dma_start3A_161] : memref<8192x64xf32, #tpu.memory_space<vmem_shared>> -> memref<8192x64xf32, #tpu.memory_space<vmem_shared>>
          tpu.enqueue_indirect_dma source(%dma_start3A_162 : memref<8192x64xf32, #tpu.memory_space<vmem_shared>>) target(%dma_start3A_156 : memref<128x64xf32, #tpu.memory_space<vmem>>) offsets(%dma_start3A_159 : memref<128xi32, #tpu.memory_space<vmem>>) semaphore(%arg11 : memref<!tpu.dma_semaphore, #tpu.memory_space<semaphore_mem>>)
        } else {
        }
      } else {
      }
    }
    %scan3A_52 = arith.constant 100 : i32
    %add3A_53 = arith.constant 24832 : i32
    %add3A_54 = arith.addi %mul3A_2, %add3A_53 : i32
    %dma_wait3A = arith.constant 0 : i32
    %dma_wait3A_55 = tpu.memref_slice %arg4[%add3A_54, %dma_wait3A] : memref<819200x64xf32, #tpu.memory_space<hbm>> -> memref<256x64xf32, #tpu.memory_space<hbm>>
    %dma_wait3A_56 = arith.constant 0 : i32
    %dma_wait3A_57 = tpu.memref_slice %arg4[%add3A_54, %dma_wait3A_56] : memref<819200x64xf32, #tpu.memory_space<hbm>> -> memref<256x64xf32, #tpu.memory_space<hbm>>
    tpu.wait_dma2 semaphore(%arg14 : memref<!tpu.dma_semaphore, #tpu.memory_space<semaphore_mem>>) src(%arg8 : memref<256x64xf32, #tpu.memory_space<vmem>>) dst(%dma_wait3A_57 : memref<256x64xf32, #tpu.memory_space<hbm>>)
    %add3A_58 = arith.constant 25088 : i32
    %add3A_59 = arith.addi %mul3A_2, %add3A_58 : i32
    %dma_wait3A_60 = arith.constant 0 : i32
    %dma_wait3A_61 = tpu.memref_slice %arg4[%add3A_59, %dma_wait3A_60] : memref<819200x64xf32, #tpu.memory_space<hbm>> -> memref<256x64xf32, #tpu.memory_space<hbm>>
    %dma_wait3A_62 = arith.constant 0 : i32
    %dma_wait3A_63 = tpu.memref_slice %arg4[%add3A_59, %dma_wait3A_62] : memref<819200x64xf32, #tpu.memory_space<hbm>> -> memref<256x64xf32, #tpu.memory_space<hbm>>
    tpu.wait_dma2 semaphore(%arg15 : memref<!tpu.dma_semaphore, #tpu.memory_space<semaphore_mem>>) src(%arg9 : memref<256x64xf32, #tpu.memory_space<vmem>>) dst(%dma_wait3A_63 : memref<256x64xf32, #tpu.memory_space<hbm>>)
    %add3A_64 = arith.constant 25344 : i32
    %add3A_65 = arith.addi %mul3A_2, %add3A_64 : i32
    %dma_wait3A_66 = arith.constant 0 : i32
    %dma_wait3A_67 = tpu.memref_slice %arg4[%add3A_65, %dma_wait3A_66] : memref<819200x64xf32, #tpu.memory_space<hbm>> -> memref<256x64xf32, #tpu.memory_space<hbm>>
    %dma_wait3A_68 = arith.constant 0 : i32
    %dma_wait3A_69 = tpu.memref_slice %arg4[%add3A_65, %dma_wait3A_68] : memref<819200x64xf32, #tpu.memory_space<hbm>> -> memref<256x64xf32, #tpu.memory_space<hbm>>
    tpu.wait_dma2 semaphore(%arg13 : memref<!tpu.dma_semaphore, #tpu.memory_space<semaphore_mem>>) src(%arg7 : memref<256x64xf32, #tpu.memory_space<vmem>>) dst(%dma_wait3A_69 : memref<256x64xf32, #tpu.memory_space<hbm>>)
    return
  }
}

</mosaic_0001>

<sc_bundles>
// kernel: kernel.3.cloned.1.call-start
scs
__scs_entry_jumppad:
0x0: {  	(pc) =	sbr.rel $0x88, $3  }
0x1: {  	(tag) =	ssettag $0x0;
	lr =	simm.s32 $0x1  }
0x2: {  	[smem:$0x3F9F] =	sst lr;
	_ =	strace $0xD0000000  }
0x3: {  	_ = 	snop  }
0x4: {  	_ = 	snop  }
0x5: {  	_ = 	snop  }
0x6: {  	_ = 	snop  }
0x7: {  	_ = 	snop  }
__scs_overlays_trampoline_lowered:
0x8: {  	[smem:$0x3FAE] =	sst s0  }
0x9: {  	[smem:$0x3FAF] =	sst s1  }
0xa: {  	[smem:$0x3FB0] =	sst s2  }
0xb: {  	[smem:$0x3FB1] =	sst s3  }
0xc: {  	[smem:$0x3FB2] =	sst s4  }
0xd: {  	[smem:$0x3FB3] =	sst s5  }
0xe: {  	[smem:$0x3FB4] =	sst s6  }
0xf: {  	[smem:$0x3FB5] =	sst s7  }
0x10: {  	[smem:$0x3FB6] =	sst s8  }
0x11: {  	[smem:$0x3FB7] =	sst s9;
	s0 =	simm.s32 @!p0 $0x0  }
0x12: {  	s1 =	sld [smem:$0x3F9D];
	s0 =	simm.s32 @p0 $0x1  }
0x13: {  	[smem:$0x3FB8] =	sst s0;
	s0 =	simm.s32 @!p1 $0x0  }
0x14: {  	s2 =	sld [smem:$0x3F9C];
	s0 =	simm.s32 @p1 $0x1  }
0x15: {  	[smem:$0x3FB9] =	sst s0;
	s0 =	simm.s32 @!p2 $0x0  }
0x16: {  	s3 =	sld [smem:$0x3FDB];
	s0 =	simm.s32 @p2 $0x1  }
0x17: {  	s4 =	simm.s32 $0x1BF5;
	[smem:$0x3FBB] =	sst s0  }
0x18: {  	s0 =	sld [smem:$0x3F9E];
	_ =	swait.ge [sflag:s4], $0x0  }
0x19: {  	s7 =	sld [smem:$0x3F9F]  }
0x1a: {  	s8 =	sadd.s32 $0xFFFFE003, lr  }
0x1b: {  	s9 =	sadd.s32 $0xFFFFFEF7, lr;
	s5 =	simm.s32 $0xFFFFFFFF;
	p2 =	slt.u32 s8, $0xFFFFF086  }
0x1c: {  	p1 =	slt.u32 s9, $0xF7A;
	s5 =	simm.s32 @!p2 $0x0  }
0x1d: {  	s5 =	simm.s32 @p1 $0x1;
	p0 =	seq.s32 s7, s2  }
0x1e: {  	s7 =	smul.u32 @!p0 $0xF7A, s2;
	p2 =	seq.s32 @!p0 s5, $0x0  }
0x1f: {  	s9 =	smul.u32 $0xF7A, s1;
	s8 =	simm.s32 @!p0 $0x1BF5;
	p2 =	por !p2, p0  }
0x20: {  	[sflag:s8] =	ssyncset.s32 @!p0 $0xFFFFF086;
	s6 =	sadd.s32 @!p0 s3, s7;
	s7 =	simm.s32 @!p0 $0x108  }
0x21: {  	s3 =	sadd.s32 s3, s9;
	s6 =	sadd.s32 @!p0 $0x88, s6;
	s7 =	simm.s32 @p2 $0x1082  }
0x22: {  	[simem:s7], [sflag:s8] =	dma.local @!p0 [hbm:s6], $0xF7A  }
0x23: {  	s9 =	sor.u32 $0xD0000000, s2;
	s6 =	simm.s32 $0x108;
	_ =	swait.ge @!p0 [sflag:s8], $0x0  }
0x24: {  	s3 =	sadd.s32 $0x88, s3;
	s6 =	simm.s32 @!p1 $0x1082;
	[sflag:s4] =	ssyncset.s32 $0xFFFFF086  }
0x25: {  	[simem:s6], [sflag:s4] =	dma.local [hbm:s3], $0xF7A  }
0x26: {  	[smem:$0x3F9F] =	sst s1;
	(tag) =	ssettag s2;
	_ =	strace s9  }
0x27: {  	s1 =	sld [smem:$0x3FAF]  }
0x28: {  	s2 =	sld [smem:$0x3FB0]  }
0x29: {  	s4 =	sld [smem:$0x3FB2]  }
0x2a: {  	p0 =	seq.s32 s5, $0x0;
	s5 =	sld [smem:$0x3FB3]  }
0x2b: {  	s6 =	sld [smem:$0x3FB4]  }
0x2c: {  	s7 =	sld [smem:$0x3FB5]  }
0x2d: {  	s3 =	simm.s32 $0x108;
	s8 =	sld [smem:$0x3FB6]  }
0x2e: {  	s3 =	simm.s32 @!p0 $0x1082;
	s9 =	sld [smem:$0x3FB7]  }
0x2f: {  	lr =	sadd.s32 s0, s3;
	s0 =	sld [smem:$0x3FAE]  }
0x30: {  	s3 =	sld [smem:$0x3FB1]  }
0x31: {  	[smem:$0x3FBA] =	sst s10  }
0x32: {  	s10 =	sld [smem:$0x3FB8];
	_ =	sdelay $0x3  }
0x33: {  	p0 =	seq.s32 s10, $0x1;
	s10 =	sld [smem:$0x3FBA];
	_ =	sdelay $0x3  }
0x34: {  	[smem:$0x3FBA] =	sst s10  }
0x35: {  	s10 =	sld [smem:$0x3FB9];
	_ =	sdelay $0x3  }
0x36: {  	p1 =	seq.s32 s10, $0x1;
	s10 =	sld [smem:$0x3FBA];
	_ =	sdelay $0x3  }
0x37: {  	[smem:$0x3FBA] =	sst s10  }
0x38: {  	s10 =	sld [smem:$0x3FBB]  }
0x39: {  	_ = 	snop;
	(pc) =	sbr.ind lr, $3  }
0x3a: {  	_ = 	snop  }
0x3b: {  	_ = 	snop  }
0x3c: {  	p2 =	seq.s32 s10, $0x1;
	s10 =	sld [smem:$0x3FBA]  }
0x3d: {  	_ =	shalt  }
0x3e: {  	_ =	shalt  }
0x3f: {  	_ =	shalt  }
0x40: {  	_ =	shalt  }
0x41: {  	_ =	shalt  }
0x42: {  	_ =	shalt  }
0x43: {  	_ =	shalt  }
0x44: {  	_ =	shalt  }
0x45: {  	_ =	shalt  }
0x46: {  	_ =	shalt  }
0x47: {  	_ =	shalt  }
0x48: {  	_ =	shalt  }
0x49: {  	_ =	shalt  }
0x4a: {  	_ =	shalt  }
0x4b: {  	_ =	shalt  }
0x4c: {  	_ =	shalt  }
0x4d: {  	_ =	shalt  }
0x4e: {  	_ =	shalt  }
0x4f: {  	_ =	shalt  }
0x50: {  	_ =	shalt  }
0x51: {  	_ =	shalt  }
0x52: {  	_ =	shalt  }
0x53: {  	_ =	shalt  }
0x54: {  	_ =	shalt  }
0x55: {  	_ =	shalt  }
0x56: {  	_ =	shalt  }
0x57: {  	_ =	shalt  }
0x58: {  	_ =	shalt  }
0x59: {  	_ =	shalt  }
0x5a: {  	_ =	shalt  }
0x5b: {  	_ =	shalt  }
0x5c: {  	_ =	shalt  }
0x5d: {  	_ =	shalt  }
0x5e: {  	_ =	shalt  }
0x5f: {  	_ =	shalt  }
0x60: {  	_ =	shalt  }
0x61: {  	_ =	shalt  }
0x62: {  	_ =	shalt  }
0x63: {  	_ =	shalt  }
0x64: {  	_ =	shalt  }
0x65: {  	_ =	shalt  }
0x66: {  	_ =	shalt  }
0x67: {  	_ =	shalt  }
0x68: {  	_ =	shalt  }
0x69: {  	_ =	shalt  }
0x6a: {  	_ =	shalt  }
0x6b: {  	_ =	shalt  }
0x6c: {  	_ =	shalt  }
0x6d: {  	_ =	shalt  }
0x6e: {  	_ =	shalt  }
0x6f: {  	_ =	shalt  }
0x70: {  	_ =	shalt  }
0x71: {  	_ =	shalt  }
0x72: {  	_ =	shalt  }
0x73: {  	_ =	shalt  }
0x74: {  	_ =	shalt  }
0x75: {  	_ =	shalt  }
0x76: {  	_ =	shalt  }
0x77: {  	_ =	shalt  }
0x78: {  	_ =	shalt  }
0x79: {  	_ =	shalt  }
0x7a: {  	_ =	shalt  }
0x7b: {  	_ =	shalt  }
0x7c: {  	_ =	shalt  }
0x7d: {  	_ =	shalt  }
0x7e: {  	_ =	shalt  }
0x7f: {  	_ =	shalt  }
0x80: {  	_ =	shalt  }
0x81: {  	_ =	shalt  }
0x82: {  	_ =	shalt  }
0x83: {  	_ =	shalt  }
0x84: {  	_ =	shalt  }
0x85: {  	_ =	shalt  }
0x86: {  	_ =	shalt  }
0x87: {  	_ =	shalt  }
.Lfunc_end0:
.L_simem_size_0:
called_computation.1_lowered:
.L_overlay_start_0:
0x88: {  	s2 =	sld [smem:$0x3FD9]  }
0x89: {  	s3 =	sld [smem:$0x3FFE];
	_ =	sdelay $0x1  }
0x8a: {  	s1 =	srdreg.scid  }
0x8b: {  	s0 =	sand.u32 $0x1, s1  }
0x8c: {  	s17 =	sshll.u32 s0, $0xA;
	s2 =	sadd.s32 s3, s2  }
0x8d: {  	s2 =	sadd.s32 s2, s17  }
0x8e: {  	[smem:$0x3FC6] =	sst s2  }
0x8f: {  	_ = 	snop  }
0x90: {  	s2 =	sld [smem:$0x3FD0];
	(tm) =	ssettm $0x1  }
0x91: {  	s18 =	sld [smem:$0x3FFB];
	_ =	sdelay $0x3  }
0x92: {  	_ =	strace s18  }
0x93: {  	s3 =	sld [smem:$0x3FFC];
	_ =	sdelay $0x3  }
0x94: {  	_ =	strace s3  }
0x95: {  	s3 =	sld [smem:$0x3FFD];
	_ =	sdelay $0x3  }
0x96: {  	_ =	strace s3  }
0x97: {  	_ =	strace $0x8FFFFFFF  }
0x98: {  	s19 =	sld [smem:$0x3FDB];
	_ =	sdelay $0x1  }
0x99: {  	s4 =	simm.s32 $_scs_section_size  }
0x9a: {  	s5 =	simm.s32 $_size__tile_overlayer_lowered;
	s6 =	simm.s32 $_tile_overlayer_lowered  }
0x9b: {  	s22 =	simm.s32 $0x1BFF;
	s21 =	sshll.u32 s6, $0x1;
	s3 =	sadd.s32 s4, s19  }
0x9c: {  	s7 =	simm.s32 $0x0;
	s20 =	sshll.u32 s5, $0x1;
	s5 =	sadd.s32 s21, s3  }
0x9d: {  	[timem:s7], [sflag:s22] =	dma.local [hbm:s5], s20  }
0x9e: {  	_ =	swait.ge [sflag:s22], s20  }
0x9f: {  	s4 =	ssub.s32 $0x0, s20;
	[sflag:s22] =	ssyncset.done $0x0  }
0xa0: {  	[sflag:s22] =	ssyncadd.s32 s4;
	_ =	sdelay $0x1  }
0xa1: {  	s23 =	simm.s32 $0x1B8B  }
0xa2: {  	_ =	swait.ge [sflag:s23], $0x1  }
0xa3: {  	[sflag:s23] =	ssyncset.done $0x0  }
0xa4: {  	s25 =	simm.s32 $0x1B8E;
	s24 =	sld [smem:$0x3FFE];
	[sflag:s23] =	ssyncadd.s32 $0xFFFFFFFF  }
0xa5: {  	s26 =	simm.s32 $execute0_lowered;
	[smem:$0x3FD2] =	sst s25  }
0xa6: {  	s5 =	sshll.u32 s26, $0x1;
	_ =	strace $0x80000046;
	[dreg:$0x1] =	wrdreg $0xFFFFFFFF  }
0xa7: {  	s28 =	simm.s32 $_size_execute0_lowered;
	s3 =	sadd.s32 s3, s5;
	[dreg:$0x0] =	wrdreg $0x0  }
0xa8: {  	s5 =	sshll.u32 s28, $0x1;
	[dreg:$0x2] =	wrdreg s3  }
0xa9: {  	[dreg:$0x3] =	wrdreg s5  }
0xaa: {  	[dreg:$0x4] =	wrdreg $0xC0  }
0xab: {  	_ =	task [dreg:s7], $0x5FFFF  }
0xac: {  	[dreg:$0x1] =	wrdreg $0xFFFFFFFF  }
0xad: {  	[dreg:$0x0] =	wrdreg $0x60  }
0xae: {  	[dreg:$0x2] =	wrdreg s24  }
0xaf: {  	[dreg:$0x3] =	wrdreg s2  }
0xb0: {  	[dreg:$0x4] =	wrdreg $0x0  }
0xb1: {  	[dreg:$0x5] =	wrdreg $0x9  }
0xb2: {  	_ =	task.clear_ibuf [dreg:s7], $0x6FFFF;
	_ =	strace $0x90000046  }
0xb3: {  	s29 =	simm.s32 $0x9;
	_ =	strace $0x80000048  }
0xb4: {  	_ =	swait.ge [sflag:s29], $0x1  }
0xb5: {  	[sflag:s29] =	ssyncadd.s32 $0xFFFFFFFF  }
0xb6: {  	_ =	strace $0x90000048  }
0xb7: {  	_ =	sfence  }
0xb8: {  	s30 =	sld [smem:$0x0];
	_ =	sdelay $0x2  }
0xb9: {  	s31 =	sshll.u32 s1, $0xD;
	s1 =	sshrl.u32 s1, $0x2  }
0xba: {  	s3 =	sand.u32 $0x4000, s31;
	s1 =	sadd.s32 s1, s30  }
0xbb: {  	s0 =	sor.u32 s3, s0;
	s1 =	sshll.u32 s1, $0x11  }
0xbc: {  	s0 =	sor.u32 s1, s0  }
0xbd: {  	s0 =	sadd.s32 $0x8F2B, s0  }
0xbe: {  	[sflag:s0] =	ssyncadd.remote.s32 $0x1  }
0xbf: {  	_ =	sfence.sel $0xFFFF  }
0xc0: {  	[dreg:$0x0] =	wrdreg $0xFFFFFFFF;
	(pc) =	sbr.abs _section_cstart, $3  }
0xc1: {  	[dreg:$0x1] =	wrdreg $0xFFFFFFFF  }
0xc2: {  	_ =	task.clear_ibuf [dreg:s7], $0x2FFFF;
	_ =	strace $0x9FFFFFFF  }
0xc3: {  	(tm) =	ssettm $0x7FFFFFFF  }
tec
execute0_lowered:
.L_overlay_start_1:
0x0: {  	(tag) =	ssettag $0x1  }
0x1: {  	s1 =	rddreg [dreg:$0x0];
	s2 =	srdreg.scid  }
0x2: {  	s0 =	stileid.u32;
	s8 =	rddreg [dreg:$0x1]  }
0x3: {  	s13 =	simm.s32 $0xE400;
	s15 =	simm.s32 $0x10400;
	s16 =	simm.s32 $0x8100  }
0x4: {  	s17 =	simm.s32 $0x12400;
	s18 =	simm.s32 $0x8180;
	s19 =	simm.s32 $0x14400  }
0x5: {  	s20 =	simm.s32 $0x3;
	s21 =	simm.s32 $0x16400;
	s22 =	simm.s32 $0x5  }
0x6: {  	s23 =	simm.s32 $0x6;
	s24 =	simm.s32 $0x4;
	s25 =	simm.s32 $0x2  }
0x7: {  	s28 =	simm.s32 $0x0;
	s4 =	sand.u32 $0x1, s2;
	s3 =	sshll.u32 s0, $0x1  }
0x8: {  	s2 =	rddreg [dreg:$0x2];
	s26 =	sshll.u32 s0, $0xC;
	s9 =	smul.u32 $0x320000, s0  }
0x9: {  	s11 =	sshll.u32 s0, $0xF;
	s30 =	sshll.u32 s0, $0x6;
	s5 =	sor.u32 s4, s3  }
0xa: {  	s3 =	simm.s32 $0x0;
	s7 =	ssub.s32 $0x2, s4;
	s12 =	smul.u32 $0x190000, s4  }
0xb: {  	s29 =	sadd.s32 s11, s2;
	s11 =	simm.s32 $0x8000;
	[smem:$0x7FF] =	sst s3  }
0xc: {  	s5 =	smul.u32 $0xC80, s5;
	s10 =	sshrl.u32 s7, $0x1;
	_ =	strace $0x80000047  }
.Ltmp0:
0xd: {  	s7 =	ssub.s32 s7, s10;
	s9 =	sadd.s32 s12, s9;
	(pc) =	sbr.rel .LBB2_1-.Ltmp0, $4  }
0xe: {  	s10 =	simm.s32 $0x7;
	s12 =	simm.s32 $0x80;
	s6 =	sadd.s32 s5, s1  }
0xf: {  	s1 =	sadd.s32 s26, s1;
	s5 =	sor.u32 $0x1C07, s30;
	s31 =	sshrl.u32 s9, $0x3  }
0x10: {  	s7 =	smax.u32 s7, $0x1;
	s9 =	sshrl.u32 s29, $0x3;
	s26 =	simm.s32 $0x1  }
0x11: {  	s4 =	sadd.s32 $0x19A00, s1;
	s6 =	sadd.s32 $0xA00, s6;
	s8 =	sadd.s32 s31, s8  }
.LBB2_8:
0x12: {  	_ =	swait.ge [sflag:s22], $0x4000  }
0x13: {  	[sflag:s22] =	ssyncset.done $0x0  }
0x14: {  	s28 =	sadd.s32 $0x1, s28;
	[sflag:s22] =	ssyncadd.s32 $0xFFFFC000  }
0x15: {  	p0 =	sne.s32 s28, s7;
	_ =	swait.ge [sflag:s23], $0x4000  }
.Ltmp1:
0x16: {  	[sflag:s23] =	ssyncset.done $0x0;
	(pc) =	sbr.rel @!p0 .LBB2_9-.Ltmp1, $4  }
0x17: {  	[sflag:s23] =	ssyncadd.s32 $0xFFFFC000  }
0x18: {  	_ =	swait.ge [sflag:s24], $0x4000  }
0x19: {  	[sflag:s24] =	ssyncset.done $0x0  }
0x1a: {  	[sflag:s24] =	ssyncadd.s32 $0xFFFFC000  }
.LBB2_1:
0x1b: {  	[spmem:s9], [sflag:s5] =	dma.local [hbm:s4], $0x1000  }
0x1c: {  	_ =	swait.ge [sflag:s10], $0x1000  }
0x1d: {  	[sflag:s10] =	ssyncset.done $0x0  }
0x1e: {  	[sflag:s10] =	ssyncadd.s32 $0xFFFFF000  }
0x1f: {  	[tilespmem:s11], [sflag:$0x7] =	stream.linear.gather [hbm4b:s6+s3], $0x6400, $0x38;
	[tilespmem:$0x1A400] =	vst v63  }
0x20: {  	_ =	swait.ge [sflag:s10], $0x6400  }
0x21: {  	[sflag:s10] =	ssyncset.done $0x0  }
0x22: {  	[sflag:s10] =	ssyncadd.s32 $0xFFFF9C00  }
0x23: {  	[bflag:$0x0] =	sbarrier.arrive $0xFFFF  }
0x24: {  	[tilespmem:s13], [sflag:$0x1] =	stream.indirect.gather [spmem:s2], $0x40, s11, s12, $0xb8;
	[tilespmem:$0x1A400] =	vst v63  }
0x25: {  	s0 =	simm.s32 $0x8080  }
0x26: {  	[tilespmem:s15], [sflag:$0x1] =	stream.indirect.gather [spmem:s2], $0x40, s0, s12, $0xb8;
	[tilespmem:$0x1A400] =	vst v63  }
.Ltmp2:
0x27: {  	_ = 	snop;
	(pc) =	sbr.rel .LBB2_2-.Ltmp2, $4  }
0x28: {  	_ = 	snop  }
0x29: {  	[tilespmem:s17], [sflag:$0x2] =	stream.indirect.gather [spmem:s2], $0x40, s16, s12, $0xb8;
	[tilespmem:$0x1A400] =	vst v63  }
0x2a: {  	s29 =	simm.s32 $0x8280;
	s30 =	smov.u32 s8;
	s31 =	simm.s32 $0x0  }
0x2b: {  	[tilespmem:s19], [sflag:$0x2] =	stream.indirect.gather [spmem:s2], $0x40, s18, s12, $0xb8;
	[tilespmem:$0x1A400] =	vst v63  }
.LBB2_6:
0x2c: {  	_ =	swait.ge [sflag:s20], $0x2000  }
0x2d: {  	[sflag:s20] =	ssyncset.done $0x0  }
0x2e: {  	[sflag:s20] =	ssyncadd.s32 $0xFFFFE000  }
0x2f: {  	_ =	swait.ge [sflag:s20], $0x2000  }
0x30: {  	p0 =	sgt.u32 s31, $0x61;
	[sflag:s20] =	ssyncset.done $0x0  }
0x31: {  	s0 =	simm.s32 @!p0 $0x5;
	[sflag:s20] =	ssyncadd.s32 $0xFFFFE000  }
0x32: {  	[hbm4b:s30+s3] =	stream.linear.scatter [tilespmem:s21], [sflag:$0x6], $0x4000, $0x38;
	[tilespmem:$0x1A400] =	vst v63  }
0x33: {  	_ =	swait.ge @!p0 [sflag:s0], $0x4000  }
0x34: {  	s1 =	simm.s32 @!p0 $0x80;
	[sflag:s0] =	ssyncset.done @!p0 $0x0  }
0x35: {  	s14 =	simm.s32 @!p0 $0x12400;
	[sflag:s0] =	ssyncadd.s32 @!p0 $0xFFFFC000;
	s0 =	sadd.s32 @!p0 $0xFFFFFF80, s29  }
0x36: {  	[tilespmem:s14], [sflag:$0x2] =	stream.indirect.gather @!p0 [spmem:s2], $0x40, s0, s1, $0xb8;
	[tilespmem:$0x1A400] =	vst v63  }
0x37: {  	s0 =	simm.s32 @!p0 $0x14400  }
0x38: {  	[tilespmem:s0], [sflag:$0x2] =	stream.indirect.gather @!p0 [spmem:s2], $0x40, s29, s1, $0xb8;
	[tilespmem:$0x1A400] =	vst v63  }
.LBB2_7:
0x39: {  	s31 =	sadd.s32 $0x1, s31  }
0x3a: {  	p0 =	sne.s32 s31, $0x64  }
.Ltmp3:
0x3b: {  	_ = 	snop;
	(pc) =	sbr.rel @!p0 .LBB2_8-.Ltmp3, $2  }
0x3c: {  	_ =	sdelay $0x2  }
0x3d: {  	s29 =	sadd.s32 $0x100, s29;
	s30 =	sadd.s32 $0x800, s30  }
.LBB2_2:
0x3e: {  	s1 =	smul.u32 $0xAB, s31;
	_ =	sdelay $0x1  }
0x3f: {  	s1 =	sshrl.u32 s1, $0x9  }
0x40: {  	s1 =	sand.u32 $0x7F, s1  }
0x41: {  	s1 =	smul.u32 $0x3, s1;
	_ =	sdelay $0x1  }
0x42: {  	s1 =	ssub.s32 s31, s1  }
0x43: {  	s1 =	sand.u32 $0xFF, s1  }
0x44: {  	p0 =	seq.s32 s1, $0x2  }
.Ltmp4:
0x45: {  	_ = 	snop;
	(pc) =	sbr.rel @p0 .LBB2_6-.Ltmp4, $1  }
0x46: {  	_ =	sdelay $0x3  }
0x47: {  	p0 =	seq.s32 s1, $0x1  }
.Ltmp5:
0x48: {  	_ = 	snop;
	(pc) =	sbr.rel @!p0 .LBB2_4-.Ltmp5, $1  }
0x49: {  	_ =	sdelay $0x3  }
0x4a: {  	_ =	swait.ge [sflag:s25], $0x2000  }
0x4b: {  	[sflag:s25] =	ssyncset.done $0x0  }
0x4c: {  	[sflag:s25] =	ssyncadd.s32 $0xFFFFE000  }
0x4d: {  	_ =	swait.ge [sflag:s25], $0x2000  }
0x4e: {  	p0 =	sgt.u32 s31, $0x61;
	[sflag:s25] =	ssyncset.done $0x0  }
0x4f: {  	s0 =	simm.s32 @!p0 $0x4;
	[sflag:s25] =	ssyncadd.s32 $0xFFFFE000  }
0x50: {  	[hbm4b:s30+s3] =	stream.linear.scatter [tilespmem:s17], [sflag:$0x5], $0x4000, $0x38;
	[tilespmem:$0x1A400] =	vst v63  }
0x51: {  	_ =	swait.ge @!p0 [sflag:s0], $0x4000  }
.Ltmp6:
0x52: {  	s1 =	simm.s32 @!p0 $0x80;
	[sflag:s0] =	ssyncset.done @!p0 $0x0;
	(pc) =	sbr.rel .LBB2_7-.Ltmp6, $4  }
0x53: {  	s14 =	simm.s32 @!p0 $0xE400;
	[sflag:s0] =	ssyncadd.s32 @!p0 $0xFFFFC000;
	s0 =	sadd.s32 @!p0 $0xFFFFFF80, s29  }
0x54: {  	[tilespmem:s14], [sflag:$0x1] =	stream.indirect.gather @!p0 [spmem:s2], $0x40, s0, s1, $0xb8;
	[tilespmem:$0x1A400] =	vst v63  }
0x55: {  	s0 =	simm.s32 @!p0 $0x10400  }
0x56: {  	[tilespmem:s0], [sflag:$0x1] =	stream.indirect.gather @!p0 [spmem:s2], $0x40, s29, s1, $0xb8;
	[tilespmem:$0x1A400] =	vst v63  }
.LBB2_4:
0x57: {  	_ =	swait.ge [sflag:s26], $0x2000  }
0x58: {  	[sflag:s26] =	ssyncset.done $0x0  }
0x59: {  	p0 =	sgt.u32 s31, $0x61;
	[sflag:s26] =	ssyncadd.s32 $0xFFFFE000  }
0x5a: {  	p1 =	seq.s32 @!p0 s31, $0x0;
	_ =	swait.ge [sflag:s26], $0x2000  }
0x5b: {  	p1 =	por p1, p0;
	[sflag:s26] =	ssyncset.done $0x0  }
0x5c: {  	s1 =	simm.s32 @!p1 $0x6;
	[sflag:s26] =	ssyncadd.s32 $0xFFFFE000  }
0x5d: {  	[hbm4b:s30+s3] =	stream.linear.scatter [tilespmem:s13], [sflag:$0x4], $0x4000, $0x38;
	[tilespmem:$0x1A400] =	vst v63  }
0x5e: {  	_ =	swait.ge @!p1 [sflag:s1], $0x4000  }
.Ltmp7:
0x5f: {  	s0 =	simm.s32 @!p0 $0x80;
	[sflag:s1] =	ssyncset.done @!p1 $0x0;
	(pc) =	sbr.rel .LBB2_7-.Ltmp7, $4  }
0x60: {  	s14 =	simm.s32 @!p0 $0x16400;
	[sflag:s1] =	ssyncadd.s32 @!p1 $0xFFFFC000;
	s1 =	sadd.s32 @!p0 $0xFFFFFF80, s29  }
0x61: {  	[tilespmem:s14], [sflag:$0x3] =	stream.indirect.gather @!p0 [spmem:s2], $0x40, s1, s0, $0xb8;
	[tilespmem:$0x1A400] =	vst v63  }
0x62: {  	s1 =	simm.s32 @!p0 $0x18400  }
0x63: {  	[tilespmem:s1], [sflag:$0x3] =	stream.indirect.gather @!p0 [spmem:s2], $0x40, s29, s0, $0xb8;
	[tilespmem:$0x1A400] =	vst v63  }
.LBB2_9:
0x64: {  	_ =	sfence.sel $0x180000  }
0x65: {  	[bflag:$0x0] =	sbarrier.arrive $0xFFFF  }
0x66: {  	_ =	strace $0x90000047  }
0x67: {  	s0 =	stileid.u32;
	[bflag:$0x2] =	sbarrier.arrive $0xFFFF  }
0x68: {  	p0 =	sne.s32 s0, $0x0;
	s0 =	rddreg [dreg:$0x3]  }
0x69: {  	s0 =	sadd.s32 @!p0 $0x100000, s0  }
0x6a: {  	[sflag:s0] =	ssyncadd.tile.s32 @!p0 $0x1;
	_ =	shalt  }
.Lfunc_end2:
_tile_overlayer_lowered:
.L_overlay_start_2:
0x6b: {  	(tag) =	ssettag $0x2  }
0x6c: {  	s0 =	rddreg [dreg:$0x0];
	s2 =	stileid.u32  }
0x6d: {  	s1 =	rddreg [dreg:$0x1];
	p0 =	sne.s32 s2, $0x0  }
0x6e: {  	s3 =	rddreg [dreg:$0x2];
	[bflag:$0x3] =	sbarrier.arrive $0xFFFF;
	s2 =	simm.s32 @!p0 $0x1C07  }
0x6f: {  	[timem:s3], [sflag:s2] =	dma.local @!p0 [hbm:s0], s1  }
0x70: {  	s0 =	simm.s32 @!p0 $0x7  }
0x71: {  	_ =	swait.ge @!p0 [sflag:s0], s1  }
0x72: {  	s1 =	ssub.s32 @!p0 $0x0, s1;
	[sflag:s0] =	ssyncset.done @!p0 $0x0  }
0x73: {  	[sflag:s0] =	ssyncadd.s32 @!p0 s1  }
0x74: {  	[bflag:$0x3] =	sbarrier.arrive $0xFFFF  }
0x75: {  	_ =	shalt  }

// kernel: sparse-core-data-format-call.cloned.1.call-start
scs
called_computation_lowered:
.L_overlay_start_0:
0x0: {  	s2 =	sld [smem:$0x3FD9]  }
0x1: {  	s3 =	sld [smem:$0x3FFE];
	_ =	sdelay $0x1  }
0x2: {  	s1 =	srdreg.scid  }
0x3: {  	s0 =	sand.u32 $0x1, s1  }
0x4: {  	s18 =	sshll.u32 s0, $0xA;
	s2 =	sadd.s32 s3, s2  }
0x5: {  	s2 =	sadd.s32 s2, s18  }
0x6: {  	[smem:$0x3FC6] =	sst s2  }
0x7: {  	_ = 	snop  }
0x8: {  	s2 =	sld [smem:$0x3FD0];
	(tm) =	ssettm $0x1  }
0x9: {  	s19 =	sld [smem:$0x3FFB];
	_ =	sdelay $0x3  }
0xa: {  	_ =	strace s19  }
0xb: {  	s3 =	sld [smem:$0x3FFC];
	_ =	sdelay $0x3  }
0xc: {  	_ =	strace s3  }
0xd: {  	s3 =	sld [smem:$0x3FFD];
	_ =	sdelay $0x3  }
0xe: {  	_ =	strace s3  }
0xf: {  	_ =	strace $0x8FFFFFFF  }
0x10: {  	s20 =	sld [smem:$0x3FDB];
	_ =	sdelay $0x1  }
0x11: {  	s4 =	simm.s32 $_scs_section_size  }
0x12: {  	s5 =	simm.s32 $_size__tile_overlayer_lowered;
	s6 =	simm.s32 $_tile_overlayer_lowered  }
0x13: {  	s23 =	simm.s32 $0x1BFF;
	s22 =	sshll.u32 s6, $0x1;
	s3 =	sadd.s32 s4, s20  }
0x14: {  	s7 =	simm.s32 $0x0;
	s21 =	sshll.u32 s5, $0x1;
	s5 =	sadd.s32 s22, s3  }
0x15: {  	[timem:s7], [sflag:s23] =	dma.local [hbm:s5], s21  }
0x16: {  	_ =	swait.ge [sflag:s23], s21  }
0x17: {  	s4 =	ssub.s32 $0x0, s21;
	[sflag:s23] =	ssyncset.done $0x0  }
0x18: {  	[sflag:s23] =	ssyncadd.s32 s4;
	_ =	sdelay $0x1  }
0x19: {  	s24 =	simm.s32 $0x1B8B  }
0x1a: {  	_ =	swait.ge [sflag:s24], $0x1  }
0x1b: {  	[sflag:s24] =	ssyncset.done $0x0  }
0x1c: {  	s26 =	simm.s32 $0x1B8E;
	s25 =	sld [smem:$0x3FFE];
	[sflag:s24] =	ssyncadd.s32 $0xFFFFFFFF  }
0x1d: {  	s27 =	simm.s32 $execute0_lowered;
	[smem:$0x3FD2] =	sst s26  }
0x1e: {  	s5 =	sshll.u32 s27, $0x1;
	_ =	strace $0x80000049;
	[dreg:$0x1] =	wrdreg $0xFFFFFFFF  }
0x1f: {  	s28 =	simm.s32 $_size_execute0_lowered;
	s3 =	sadd.s32 s3, s5;
	[dreg:$0x0] =	wrdreg $0x0  }
0x20: {  	s5 =	sshll.u32 s28, $0x1;
	[dreg:$0x2] =	wrdreg s3  }
0x21: {  	[dreg:$0x3] =	wrdreg s5  }
0x22: {  	[dreg:$0x4] =	wrdreg $0xC0  }
0x23: {  	_ =	task [dreg:s7], $0x5FFFF  }
0x24: {  	[dreg:$0x1] =	wrdreg $0xFFFFFFFF  }
0x25: {  	[dreg:$0x0] =	wrdreg $0x60  }
0x26: {  	[dreg:$0x2] =	wrdreg s25  }
0x27: {  	[dreg:$0x3] =	wrdreg s2  }
0x28: {  	[dreg:$0x4] =	wrdreg $0x9  }
0x29: {  	_ =	task.clear_ibuf [dreg:s7], $0x5FFFF;
	_ =	strace $0x90000049  }
0x2a: {  	s29 =	simm.s32 $0x9;
	_ =	strace $0x8000004B  }
0x2b: {  	_ =	swait.ge [sflag:s29], $0x1  }
0x2c: {  	[sflag:s29] =	ssyncadd.s32 $0xFFFFFFFF  }
0x2d: {  	_ =	strace $0x9000004B  }
0x2e: {  	_ =	sfence  }
0x2f: {  	s30 =	sld [smem:$0x0];
	_ =	sdelay $0x2  }
0x30: {  	s31 =	sshll.u32 s1, $0xD;
	s1 =	sshrl.u32 s1, $0x2  }
0x31: {  	s3 =	sand.u32 $0x4000, s31;
	s1 =	sadd.s32 s1, s30  }
0x32: {  	s0 =	sor.u32 s3, s0;
	s1 =	sshll.u32 s1, $0x11  }
0x33: {  	s0 =	sor.u32 s1, s0  }
0x34: {  	s0 =	sadd.s32 $0x8F2B, s0  }
0x35: {  	[sflag:s0] =	ssyncadd.remote.s32 $0x1  }
0x36: {  	_ =	sfence.sel $0xFFFF  }
0x37: {  	[dreg:$0x0] =	wrdreg $0xFFFFFFFF;
	(pc) =	sbr.abs _section_cstart, $3  }
0x38: {  	[dreg:$0x1] =	wrdreg $0xFFFFFFFF  }
0x39: {  	_ =	task.clear_ibuf [dreg:s7], $0x2FFFF;
	_ =	strace $0x9FFFFFFF  }
0x3a: {  	(tm) =	ssettm $0x7FFFFFFF  }
0x3b: {  	_ =	shalt  }
tec
execute0_lowered:
.L_overlay_start_1:
0x0: {  	(tag) =	ssettag $0x1  }
0x1: {  	s0 =	srdreg.scid  }
0x2: {  	s1 =	sshll.u32 s0, $0x4  }
0x3: {  	s0 =	stileid.u32;
	s1 =	sand.u32 $0x10, s1  }
0x4: {  	s1 =	sor.u32 s0, s1  }
0x5: {  	s6 =	rddreg [dreg:$0x0];
	s4 =	simm.s32 $0x1;
	s2 =	sshll.u32 s1, $0x7  }
0x6: {  	s7 =	simm.s32 $0x2;
	s12 =	simm.s32 $0x0;
	s1 =	ssub.s32 $0x1000, s2  }
0x7: {  	s8 =	simm.s32 $0x8000;
	s13 =	simm.s32 $0x0;
	s3 =	sand.u32 $0xF80, s1  }
0x8: {  	s9 =	simm.s32 $0x0;
	s5 =	sshrl.u32 s1, $0xC;
	p0 =	sne.s32 s3, $0x0  }
.Ltmp0:
0x9: {  	s1 =	rddreg [dreg:$0x2];
	s4 =	simm.s32 @!p0 $0x0;
	(pc) =	sbr.rel .LBB1_1-.Ltmp0, $4  }
0xa: {  	s11 =	simm.s32 $0x0;
	s3 =	rddreg [dreg:$0x1];
	s5 =	sadd.s32 s4, s5  }
0xb: {  	_ =	strace $0x8000004A;
	s4 =	simm.s32 $0x1;
	s5 =	smul.u32 $0xC8, s5  }
0xc: {  	s6 =	sadd.s32 $0xA00, s6;
	s10 =	smov.u32 s2;
	[sflag:s4] =	ssyncpa.u1 $0x0  }
0xd: {  	p0 =	por $0x0, $0x0;
	[sflag:s7] =	ssyncpa.u1 $0x0;
	s7 =	sor.u32 $0x1, s5  }
.LBB1_4:
0xe: {  	s16 =	sshll.u32 s13, $0x3;
	s17 =	sand.u32 $0x78, s13  }
0xf: {  	s30 =	sand.u32 $0x7E00, s13;
	s12 =	sshll.u32 s12, $0xF;
	s16 =	sand.u32 $0xC00, s16  }
0x10: {  	[tilespmem:s15+$0x810 ss:$0x81] =	vst.msk $0xffff, v2;
	s31 =	sand.u32 $0x7, s13;
	s16 =	sor.u32 s17, s16;
	s17 =	sadd.s32 s3, s30  }
0x11: {  	[tilespmem:s15+$0x1020 ss:$0x81] =	vst.msk $0xffff, v0;
	s13 =	sshll.u32 s31, $0x12;
	s12 =	sadd.s32 s12, s17;
	s16 =	sshrl.u32 s16, $0x3  }
0x12: {  	[tilespmem:s15+$0x0 ss:$0x81] =	vst.msk $0xffff, v1;
	s13 =	sor.u32 $0x400, s13;
	s12 =	sadd.s32 s16, s12  }
0x13: {  	[hbm4b:s12+s13] =	stream.strided.scatter [tilespmem:s14], [sflag:$0x2], $0x2000, s8, s13, $0x20;
	[tilespmem:$0x8080] =	vst v63  }
.LBB1_5:
0x14: {  	s14 =	sadd.s32 $0x1, s9  }
0x15: {  	s12 =	sadd.s32 $0x1000, s10;
	s16 =	smov.u32 s10;
	p2 =	sgt.s32 s14, $0xC7  }
0x16: {  	s16 =	smov.u32 @p2 s12  }
0x17: {  	s14 =	simm.s32 @p2 $0x0;
	p2 =	sgt.s32 s16, $0xFFF  }
0x18: {  	s16 =	smov.u32 @p2 s2;
	p2 =	sne.s32 s11, s7  }
.Ltmp1:
0x19: {  	p1 =	slt.u32 s11, $0x2;
	(pc) =	sbr.rel @!p2 .LBB1_6-.Ltmp1, $4  }
0x1a: {  	s15 =	simm.s32 @!p1 $0x2  }
0x1b: {  	s13 =	smov.u32 s10;
	p0 =	por !p0, !p0;
	_ =	swait.ge @!p1 [sflag:s15], $0x2000  }
0x1c: {  	s12 =	smov.u32 s9;
	[sflag:s15] =	ssyncset.done @!p1 $0x0;
	s9 =	smov.u32 s14  }
0x1d: {  	s11 =	sadd.s32 $0x1, s11;
	[sflag:s15] =	ssyncadd.s32 @!p1 $0xFFFFE000;
	s10 =	smov.u32 s16  }
.LBB1_1:
0x1e: {  	p1 =	sge.u32 s11, s5  }
0x1f: {  	s14 =	sand.u32 @!p1 $0x1FFFFFF, s9  }
0x20: {  	s15 =	smulhi.u32 @!p1 $0x147AE15, s14;
	_ =	sdelay $0x1  }
0x21: {  	s15 =	smul.u32 @!p1 $0xC8, s15  }
0x22: {  	s16 =	sxor.u32 @!p1 $0xFFFFFFFF, s11;
	s17 =	smul.u32 @!p1 $0xC80, s10  }
0x23: {  	s31 =	sadd.s32 $0xFFFFFFFF, s11;
	s16 =	sshll.u32 @!p1 s16, $0xD;
	s14 =	ssub.s32 @!p1 s14, s15  }
0x24: {  	s15 =	sand.u32 @!p1 $0x2000, s16;
	s16 =	sadd.s32 @!p1 s6, s17;
	s14 =	sshll.u32 @!p1 s14, $0x4  }
0x25: {  	s17 =	simm.s32 @!p1 $0x6400;
	s14 =	sadd.s32 @!p1 s14, s16;
	s16 =	simm.s32 @!p1 $0x40  }
0x26: {  	[tilespmem:s15], [sflag:$0x1] =	stream.strided.gather @!p1 [hbm4b:s14+s16], $0x2000, s17, s16, $0x38;
	[tilespmem:$0x8080] =	vst v63  }
0x27: {  	p1 =	sge.u32 s31, s5  }
.Ltmp2:
0x28: {  	_ = 	snop;
	(pc) =	sbr.rel @p1 .LBB1_5-.Ltmp2, $1  }
0x29: {  	_ =	sdelay $0x3  }
0x2a: {  	s14 =	simm.s32 $0x1  }
0x2b: {  	_ =	swait.ge [sflag:s4], $0x2000;
	s14 =	simm.s32 @!p0 $0x0  }
0x2c: {  	[sflag:s4] =	ssyncset.done $0x0;
	s15 =	sshll.u32 s14, $0xD  }
0x2d: {  	[sflag:s4] =	ssyncadd.s32 $0xFFFFE000;
	s18 =	sor.u32 $0x20, s15  }
0x2e: {  	s14 =	smul.u32 $0x8100, s14;
	v3 =	vld [tilespmem:s18+$0x10]  }
0x2f: {  	s30 =	sand.u32 $0x1, s11;
	v2 =	vld [tilespmem:s18+$0xFFFFFFF0]  }
0x30: {  	s15 =	smul.u32 $0x8100, s30;
	s14 =	sshrl.u32 s14, $0x2;
	v0 =	vld [tilespmem:s18+$0x0]  }
0x31: {  	v1 =	vld [tilespmem:s18+$0xFFFFFFE0];
	s16 =	sor.u32 $0x4000, s14  }
0x32: {  	s31 =	sshrl.u32 s15, $0x2;
	s15 =	sadd.s32 $0x0, s16  }
0x33: {  	s17 =	simm.s32 $0x4;
	s18 =	sadd.s32 $0x40, s18;
	s14 =	sor.u32 $0x4000, s31;
	[tilespmem:s15+$0x1830 ss:$0x81] =	vst.msk $0xffff, v3  }
.LBB1_3:
0x34: {  	v3 =	vld [tilespmem:s18+$0x10];
	p1 =	sne.s32 s17, $0x1FC;
	[tilespmem:s15+$0x810 ss:$0x81] =	vst.msk $0xffff, v2;
	s19 =	smov.u32 s17;
	s17 =	sadd.s32 $0x4, s17  }
.Ltmp3:
0x35: {  	v2 =	vld [tilespmem:s18+$0xFFFFFFF0];
	[tilespmem:s15+$0x1020 ss:$0x81] =	vst.msk $0xffff, v0;
	(pc) =	sbr.rel @p1 .LBB1_3-.Ltmp3, $4  }
0x36: {  	v0 =	vld [tilespmem:s18+$0x0];
	[tilespmem:s15+$0x0 ss:$0x81] =	vst.msk $0xffff, v1  }
0x37: {  	s15 =	sshra.s32 s19, $0x2;
	v1 =	vld [tilespmem:s18+$0xFFFFFFE0]  }
0x38: {  	s15 =	sadd.s32 s15, s16  }
0x39: {  	s18 =	sadd.s32 $0x40, s18;
	[tilespmem:s15+$0x1830 ss:$0x81] =	vst.msk $0xffff, v3  }
.Ltmp4:
0x3a: {  	_ = 	snop;
	(pc) =	sbr.rel .LBB1_4-.Ltmp4, $1  }
0x3b: {  	_ =	sdelay $0x3  }
.LBB1_6:
0x3c: {  	_ =	sfence.sel $0x180000  }
0x3d: {  	s2 =	simm.s32 $0x1;
	[bflag:$0x0] =	sbarrier.arrive $0xFFFF  }
0x3e: {  	s31 =	simm.s32 $0x2;
	[sflag:s2] =	ssyncpa.u1 $0x1  }
0x3f: {  	[sflag:s31] =	ssyncpa.u1 $0x1  }
0x40: {  	p0 =	sne.s32 s0, $0x0;
	_ =	strace $0x9000004A  }
0x41: {  	s0 =	sadd.s32 @!p0 $0x100000, s1;
	[bflag:$0x2] =	sbarrier.arrive $0xFFFF  }
0x42: {  	[sflag:s0] =	ssyncadd.tile.s32 @!p0 $0x1;
	_ =	shalt  }
.Lfunc_end1:
_tile_overlayer_lowered:
.L_overlay_start_2:
0x43: {  	(tag) =	ssettag $0x2  }
0x44: {  	s0 =	rddreg [dreg:$0x0];
	s2 =	stileid.u32  }
0x45: {  	s1 =	rddreg [dreg:$0x1];
	p0 =	sne.s32 s2, $0x0  }
0x46: {  	s3 =	rddreg [dreg:$0x2];
	[bflag:$0x3] =	sbarrier.arrive $0xFFFF;
	s2 =	simm.s32 @!p0 $0x1C01  }
0x47: {  	[timem:s3], [sflag:s2] =	dma.local @!p0 [hbm:s0], s1  }
0x48: {  	s0 =	simm.s32 @!p0 $0x1  }
0x49: {  	_ =	swait.ge @!p0 [sflag:s0], s1  }
0x4a: {  	s1 =	ssub.s32 @!p0 $0x0, s1;
	[sflag:s0] =	ssyncset.done @!p0 $0x0  }
0x4b: {  	[sflag:s0] =	ssyncadd.s32 @!p0 s1  }
0x4c: {  	[bflag:$0x3] =	sbarrier.arrive $0xFFFF  }
0x4d: {  	_ =	shalt  }

</sc_bundles>
